<compile_context>
chip_gen: v7x
topology: tpu7x:2x2x1
jax: 0.10.2.dev20260603
libtpu: 0.0.44.dev20260713+nightly
codegen_flags: <defaults>
</compile_context>

<pallas_src>
import functools
import math

import jax
import jax.numpy as jnp
from jax import lax
from jax.experimental import pallas as pl
from jax.experimental.pallas import tpu as pltpu
from jax.experimental.pallas import tpu_sc as plsc

_NBINS = 9
_POOL = 8
_H = 512
_W = 512
_HP = _H // _POOL
_WP = _W // _POOL
_STRIP = 64
_NSTRIPS = _H // _STRIP
_NW = 32
_GPS = _STRIP // _POOL
_SC_IMAGES = 4

_COTS = [1.0 / math.tan(k * math.pi / _NBINS) for k in range(1, _NBINS)]
_NORM_GUARD_SQ = (64.0 * 1e-12) ** 2



def _tc_body(x_ref, o_ref):
    a = x_ref[0, 0].astype(jnp.bfloat16).astype(jnp.float32)
    h, w = a.shape

    up = jnp.concatenate([a[1:2, :], a[:-1, :]], axis=0)
    dn = jnp.concatenate([a[1:, :], a[h - 2:h - 1, :]], axis=0)
    t = up + 2.0 * a + dn
    lf = jnp.concatenate([a[:, 1:2], a[:, :-1]], axis=1)
    rt = jnp.concatenate([a[:, 1:], a[:, w - 2:w - 1]], axis=1)
    s = lf + 2.0 * a + rt
    tl = jnp.concatenate([t[:, 1:2], t[:, :-1]], axis=1)
    tr = jnp.concatenate([t[:, 1:], t[:, w - 2:w - 1]], axis=1)
    gx = tl - tr
    su = jnp.concatenate([s[1:2, :], s[:-1, :]], axis=0)
    sd = jnp.concatenate([s[1:, :], s[h - 2:h - 1, :]], axis=0)
    gy = su - sd

    mag = jnp.sqrt(gx * gx + gy * gy)

    u = jnp.abs(gx)
    v = jnp.where(gx > 0, gy, jnp.where(gx < 0, -gy, jnp.abs(gy)))
    r = v / u

    rp = lax.broadcasted_iota(jnp.int32, (w, w // _POOL), 0) // _POOL
    cp = lax.broadcasted_iota(jnp.int32, (w, w // _POOL), 1)
    pool = (rp == cp).astype(jnp.float32)
    scale = 1.0 / (_POOL * _POOL)

    ws = [mag] + [jnp.where(r <= jnp.float32(ct), mag, 0.0) for ct in _COTS]
    ps = []
    for wk in ws:
        rsum = jnp.sum(wk.reshape(h // _POOL, _POOL, w), axis=1)
        ps.append(lax.dot(rsum, pool, preferred_element_type=jnp.float32)
                  * scale)
    hs = [ps[b] - ps[b + 1] for b in range(_NBINS - 1)] + [ps[_NBINS - 1]]

    ssq = hs[0] * hs[0]
    for b in range(1, _NBINS):
        ssq = ssq + hs[b] * hs[b]
    inv = 1.0 / jnp.maximum(jnp.sqrt(ssq), 1e-12)
    for b in range(_NBINS):
        o_ref[0, b] = hs[b] * inv


def _tc_call(x):
    n = x.shape[0]
    return pl.pallas_call(
        _tc_body,
        grid=(n,),
        in_specs=[pl.BlockSpec((1, 1, _H, _W), lambda i: (i, 0, 0, 0))],
        out_specs=pl.BlockSpec((1, _NBINS, _HP, _WP), lambda i: (i, 0, 0, 0)),
        out_shape=jax.ShapeDtypeStruct((n, _NBINS, _HP, _WP), jnp.float32),
    )(x)



def _round_bf16(vv):
    iv = lax.bitcast_convert_type(vv, jnp.int32)
    rv = (iv + 0x7FFF + ((iv >> 16) & 1)) & jnp.int32(-65536)
    return lax.bitcast_convert_type(rv, jnp.float32)


def _rsqrt_nr(q, iters=3):
    i = jnp.int32(0x5F3759DF) - (lax.bitcast_convert_type(q, jnp.int32) >> 1)
    y = lax.bitcast_convert_type(i, jnp.float32)
    for _ in range(iters):
        y = y * (1.5 - 0.5 * q * y * y)
    return y


def _sc_call(x_flat, n_sc):
    n_units = n_sc * _NSTRIPS
    reps = -(-n_units // _NW)
    mesh = plsc.VectorSubcoreMesh(
        core_axis_name="c", subcore_axis_name="s", num_cores=2,
        num_subcores=16)

    rows = _STRIP + 2

    @functools.partial(
        pl.kernel,
        out_type=jax.ShapeDtypeStruct((n_sc * _NBINS * _HP * _WP,),
                                      jnp.float32),
        mesh=mesh,
        scratch_types=[
            pltpu.VMEM((rows * _W,), jnp.float32),
            pltpu.VMEM((_W + 32,), jnp.float32),
            pltpu.VMEM((_W + 32,), jnp.float32),
            pltpu.VMEM((_NBINS * _WP * 8,), jnp.float32),
            pltpu.VMEM((_NBINS * _GPS * _WP,), jnp.float32),
        ],
        compiler_params=pltpu.CompilerParams(needs_layout_passes=False),
    )
    def sc_fn(x_hbm, o_hbm, buf, tpad, dpad, acc, obuf):
        wid = lax.axis_index("s") * 2 + lax.axis_index("c")
        lane = lax.iota(jnp.int32, 16)
        i8 = lane * 8
        zeros = jnp.zeros((16,), jnp.float32)

        def rep_body(rep, carry):
            unit = wid + rep * _NW

            @pl.when(unit < n_units)
            def _():
                img = unit // _NSTRIPS
                strip = unit - img * _NSTRIPS
                r0 = strip * _STRIP
                xoff = img * (_H * _W)

                top = jnp.where(strip == 0, 1, r0 - 1)
                bot = jnp.where(strip == _NSTRIPS - 1, _H - 2, r0 + _STRIP)
                pltpu.sync_copy(x_hbm.at[pl.ds(xoff + top * _W, _W)],
                                buf.at[pl.ds(0, _W)])
                pltpu.sync_copy(x_hbm.at[pl.ds(xoff + r0 * _W, _STRIP * _W)],
                                buf.at[pl.ds(_W, _STRIP * _W)])
                pltpu.sync_copy(x_hbm.at[pl.ds(xoff + bot * _W, _W)],
                                buf.at[pl.ds((rows - 1) * _W, _W)])

                @plsc.parallel_loop(0, rows * _W // 16, unroll=4)
                def _(i):
                    buf[pl.ds(i * 16, 16)] = _round_bf16(buf[pl.ds(i * 16, 16)])

                def grp_body(grp, carry):
                    @plsc.parallel_loop(0, _NBINS * _WP * 8 // 16, unroll=8)
                    def _(i):
                        acc[pl.ds(i * 16, 16)] = zeros

                    def row_body(rr, c2):
                        boff = (grp * _POOL + rr + 1) * _W

                        @plsc.parallel_loop(0, _W // 16, unroll=8)
                        def _(j):
                            off = boff + j * 16
                            up_ = buf[pl.ds(off - _W, 16)]
                            mid = buf[pl.ds(off, 16)]
                            dn_ = buf[pl.ds(off + _W, 16)]
                            tpad[pl.ds(1 + j * 16, 16)] = up_ + 2.0 * mid + dn_
                            dpad[pl.ds(1 + j * 16, 16)] = up_ - dn_
                        for ref_ in (tpad, dpad):
                            v0 = ref_[pl.ds(0, 16)]
                            ref_[pl.ds(0, 16)] = jnp.where(lane == 0, v0[2], v0)
                            v1 = ref_[pl.ds(_W - 2, 16)]
                            ref_[pl.ds(_W - 2, 16)] = jnp.where(lane == 3,
                                                                v1[1], v1)

                        def px_body(j, c3):
                            jo = j * 16
                            gx = tpad[pl.ds(jo, 16)] - tpad[pl.ds(jo + 2, 16)]
                            gy = (dpad[pl.ds(jo, 16)]
                                  + 2.0 * dpad[pl.ds(jo + 1, 16)]
                                  + dpad[pl.ds(jo + 2, 16)])
                            q = gx * gx + gy * gy
                            mag = q * _rsqrt_nr(jnp.maximum(q, 1e-30), 2)
                            u = jnp.abs(gx)
                            v = jnp.where(gx > 0, gy,
                                          jnp.where(gx < 0, -gy, jnp.abs(gy)))
                            r = v / u
                            bin_ = jnp.where(r <= jnp.float32(_COTS[0]),
                                             jnp.int32(1), jnp.int32(0))
                            for ct in _COTS[1:]:
                                bin_ = bin_ + jnp.where(r <= jnp.float32(ct),
                                                        jnp.int32(1),
                                                        jnp.int32(0))
                            idx = bin_ * (_WP * 8) + (jo + lane)
                            plsc.addupdate_scatter(acc, [idx], mag)
                            return c3
                        lax.fori_loop(0, _W // 16, px_body, 0)
                        return c2
                    lax.fori_loop(0, _POOL, row_body, 0)

                    hsums = []
                    ssqs = [zeros, zeros, zeros, zeros]

                    def fold_body(b, c2):
                        s0, s1, s2, s3 = c2
                        outs = []
                        for j4 in range(4):
                            base = b * (_WP * 8) + j4 * 128
                            hb = plsc.load_gather(acc, [base + i8])
                            for sft in range(1, 8):
                                hb = hb + plsc.load_gather(
                                    acc, [base + sft + i8])
                            obuf[pl.ds(b * (_GPS * _WP) + (_GPS - 1) * _WP + j4 * 16,
                                       16)] = hb
                            outs.append(hb * hb)
                        return (s0 + outs[0], s1 + outs[1],
                                s2 + outs[2], s3 + outs[3])
                    ssqs = lax.fori_loop(0, _NBINS, fold_body, tuple(ssqs))

                    invs = [_rsqrt_nr(jnp.maximum(sq, _NORM_GUARD_SQ))
                            for sq in ssqs]

                    def out_body(b, c2):
                        for j4 in range(4):
                            o_off = b * (_GPS * _WP) + (_GPS - 1) * _WP + j4 * 16
                            hb = obuf[pl.ds(o_off, 16)]
                            obuf[pl.ds(b * (_GPS * _WP) + grp * _WP + j4 * 16,
                                       16)] = hb * invs[j4]
                        return c2
                    lax.fori_loop(0, _NBINS, out_body, 0)
                    return carry
                lax.fori_loop(0, _GPS, grp_body, 0)

                ooff = img * (_NBINS * _HP * _WP) + strip * (_GPS * _WP)
                for b in range(_NBINS):
                    pltpu.sync_copy(
                        obuf.at[pl.ds(b * (_GPS * _WP), _GPS * _WP)],
                        o_hbm.at[pl.ds(ooff + b * (_HP * _WP), _GPS * _WP)])

            return carry

        lax.fori_loop(0, reps, rep_body, 0)

    return sc_fn(x_flat)


def kernel(x, W):
    del W
    n = x.shape[0]
    n_sc = min(_SC_IMAGES, n)
    n_tc = n - n_sc
    outs = []
    if n_sc:
        x_sc = x[n_tc:].reshape(n_sc * _H * _W)
        o_sc = _sc_call(x_sc, n_sc).reshape(n_sc, _NBINS, _HP, _WP)
    if n_tc:
        outs.append(_tc_call(x[:n_tc]))
    if n_sc:
        outs.append(o_sc)
    return outs[0] if len(outs) == 1 else jnp.concatenate(outs, axis=0)

# --- scband reference (transcript-rebuilt; emitter-appended) ---
"""Pipeline reference for scband-hoglayer-2877628088995 (READ-ONLY COPY).

The authoritative reference and input builder live on the scoring server;
editing this copy changes nothing except your own understanding.
"""

import jax, jax.numpy as jnp
import numpy as np
import math

NBINS = 9
POOL = 8
MAX_ANGLE = math.pi


def setup_inputs(seed: int = 0) -> dict:
    key = jax.random.key(seed)
    x = jax.random.normal(key, (32, 1, 512, 512), dtype=jnp.float32)
    mat = jnp.array([[1.0, 0.0, -1.0], [2.0, 0.0, -2.0], [1.0, 0.0, -1.0]], dtype=jnp.float32)
    W = jnp.stack([mat, mat.T], axis=0)[:, None, :, :]  # (2,1,3,3) fixed Sobel weights
    return {"x": x, "W": W}


def reference(x, W):
    # reflect-pad then VALID conv == Conv2d(padding=1, padding_mode='reflect')
    xp = jnp.pad(x, ((0, 0), (0, 0), (1, 1), (1, 1)), mode='reflect')
    gxy = jax.lax.conv_general_dilated(
        xp, W, window_strides=(1, 1), padding='VALID',
        dimension_numbers=('NCHW', 'OIHW', 'NCHW'))  # (n,2,h,w)
    mag = jnp.sqrt(jnp.sum(gxy * gxy, axis=1))  # (n,h,w)
    phase = jnp.arctan2(gxy[:, 0, :, :], gxy[:, 1, :, :])
    phase_int = phase / MAX_ANGLE * NBINS
    idx = jnp.floor(phase_int).astype(jnp.int32) % NBINS  # (n,h,w), python-style mod matches torch %
    # scatter_(dim=1, idx, mag) with one index per spatial position == one-hot select
    bins = jnp.arange(NBINS, dtype=jnp.int32)
    out = (idx[:, None, :, :] == bins[None, :, None, None]).astype(jnp.float32) * mag[:, None, :, :]
    n, c, h, w = out.shape
    # AvgPool2d(POOL, stride=POOL): h,w divisible by POOL
    hog = out.reshape(n, c, h // POOL, POOL, w // POOL, POOL).mean(axis=(3, 5))
    # F.normalize(p=2, dim=1): v / max(||v||_2, eps)
    norm = jnp.sqrt(jnp.sum(hog * hog, axis=1, keepdims=True))
    hog = hog / jnp.maximum(norm, 1e-12)
    return hog

if __name__ == "__main__":
    import jax
    _d = setup_inputs()
    print(jax.jit(kernel)(*tuple(_d.values())))

</pallas_src>

<mosaic_0001>
#map = affine_map<(d0, d1) -> (0)>
module attributes {stable_mosaic.version = 14 : i64} {
  func.func @sc_fn(%arg0: i32, %arg1: i32, %arg2: memref<1048576xf32, #tpu.memory_space<hbm>>, %arg3: memref<147456xf32, #tpu.memory_space<hbm>>, %arg4: memref<33792xf32, #tpu.memory_space<vmem>>, %arg5: memref<544xf32, #tpu.memory_space<vmem>>, %arg6: memref<544xf32, #tpu.memory_space<vmem>>, %arg7: memref<4608xf32, #tpu.memory_space<vmem>>, %arg8: memref<4608xf32, #tpu.memory_space<vmem>>) attributes {dimension_semantics = [#tpu.dimension_semantics<core_parallel>, #tpu.dimension_semantics<subcore_parallel>], iteration_bounds = array<i64: 2, 16>, scalar_prefetch = 0 : i64, scratch_operands = 5 : i64, tpu.core_type = #tpu.core_type<sc_vector_subcore>, window_params = [{transform_indices = #map}, {transform_indices = #map}]} {
    %mul3A = arith.constant 2 : i32
    %mul3A_0 = arith.muli %arg1, %mul3A : i32
    %add3A = arith.addi %mul3A_0, %arg0 : i32
    %iota3A = tpu.iota {dimensions = array<i32: 0>} : vector<16xi32>
    %mul3A_1 = arith.constant 8 : i32
    %mul3A_2 = vector.broadcast %mul3A_1 : i32 to vector<16xi32>
    %mul3A_3 = arith.muli %iota3A, %mul3A_2 : vector<16xi32>
    %broadcast_in_dim3A = arith.constant 0.000000e+00 : f32
    %broadcast_in_dim3A_4 = vector.broadcast %broadcast_in_dim3A : f32 to vector<16xf32>
    %scan3A = arith.constant 0 : i32
    %scan3A_5 = arith.constant 0 : i32
    %mul3A_6 = arith.constant 32 : i32
    %mul3A_7 = arith.muli %scan3A_5, %mul3A_6 : i32
    %add3A_8 = arith.addi %add3A, %mul3A_7 : i32
    %lt3A = arith.constant 32 : i32
    %lt3A_9 = arith.cmpi slt, %add3A_8, %lt3A : i32
    %convert_element_type3A = arith.extui %lt3A_9 : i1 to i32
    %cond3A = arith.constant 0 : i32
    %cond3A_10 = arith.cmpi ne, %convert_element_type3A, %cond3A : i32
    scf.if %cond3A_10 {
      %jit3A = arith.constant 8 : i32
      %div3A = arith.divsi %add3A_8, %jit3A : i32
      %sign3A = arith.constant 0 : i32
      %sign3A_12 = arith.cmpi sgt, %add3A_8, %sign3A : i32
      %sign3A_13 = arith.extui %sign3A_12 : i1 to i32
      %sign3A_14 = arith.constant 0 : i32
      %sign3A_15 = arith.cmpi slt, %add3A_8, %sign3A_14 : i32
      %sign3A_16 = arith.extui %sign3A_15 : i1 to i32
      %sign3A_17 = arith.subi %sign3A_13, %sign3A_16 : i32
      %sign3A_18 = arith.constant 0 : i32
      %sign3A_19 = arith.cmpi sgt, %jit3A, %sign3A_18 : i32
      %sign3A_20 = arith.extui %sign3A_19 : i1 to i32
      %sign3A_21 = arith.constant 0 : i32
      %sign3A_22 = arith.cmpi slt, %jit3A, %sign3A_21 : i32
      %sign3A_23 = arith.extui %sign3A_22 : i1 to i32
      %sign3A_24 = arith.subi %sign3A_20, %sign3A_23 : i32
      %ne3A = arith.cmpi ne, %sign3A_17, %sign3A_24 : i32
      %rem3A = arith.remsi %add3A_8, %jit3A : i32
      %ne3A_25 = arith.constant 0 : i32
      %ne3A_26 = arith.cmpi ne, %rem3A, %ne3A_25 : i32
      %and3A = arith.andi %ne3A, %ne3A_26 : i1
      %sub3A = arith.constant 1 : i32
      %sub3A_27 = arith.subi %div3A, %sub3A : i32
      %select_n3A = arith.select %and3A, %sub3A_27, %div3A : i32
      %mul3A_28 = arith.constant 8 : i32
      %mul3A_29 = arith.muli %select_n3A, %mul3A_28 : i32
      %sub3A_30 = arith.subi %add3A_8, %mul3A_29 : i32
      %mul3A_31 = arith.constant 64 : i32
      %mul3A_32 = arith.muli %sub3A_30, %mul3A_31 : i32
      %mul3A_33 = arith.constant 262144 : i32
      %mul3A_34 = arith.muli %select_n3A, %mul3A_33 : i32
      %eq3A = arith.constant 0 : i32
      %eq3A_35 = arith.cmpi eq, %sub3A_30, %eq3A : i32
      %sub3A_36 = arith.constant 1 : i32
      %sub3A_37 = arith.subi %mul3A_32, %sub3A_36 : i32
      %jit3A_38 = arith.constant 1 : i32
      %select_n3A_39 = arith.select %eq3A_35, %jit3A_38, %sub3A_37 : i32
      %eq3A_40 = arith.constant 7 : i32
      %eq3A_41 = arith.cmpi eq, %sub3A_30, %eq3A_40 : i32
      %add3A_42 = arith.constant 64 : i32
      %add3A_43 = arith.addi %mul3A_32, %add3A_42 : i32
      %jit3A_44 = arith.constant 510 : i32
      %select_n3A_45 = arith.select %eq3A_41, %jit3A_44, %add3A_43 : i32
      %mul3A_46 = arith.constant 512 : i32
      %mul3A_47 = arith.muli %select_n3A_39, %mul3A_46 : i32
      %add3A_48 = arith.addi %mul3A_34, %mul3A_47 : i32
      "tpu.region"() ({
        %run_scoped3A = tpu.sem_alloc : memref<!tpu.dma_semaphore, #tpu.memory_space<semaphore_mem>>
        %dma_start3A = arith.constant 0 : i32
        %dma_start3A_86 = tpu.memref_slice %arg4[%dma_start3A] : memref<33792xf32, #tpu.memory_space<vmem>> -> memref<512xf32, #tpu.memory_space<vmem>>
        %dma_start3A_87 = tpu.memref_slice %arg2[%add3A_48] : memref<1048576xf32, #tpu.memory_space<hbm>> -> memref<512xf32, #tpu.memory_space<hbm>>
        %dma_start3A_88 = arith.constant 0 : i32
        %dma_start3A_89 = tpu.memref_slice %arg4[%dma_start3A_88] : memref<33792xf32, #tpu.memory_space<vmem>> -> memref<512xf32, #tpu.memory_space<vmem>>
        %dma_start3A_90 = tpu.memref_slice %arg2[%add3A_48] : memref<1048576xf32, #tpu.memory_space<hbm>> -> memref<512xf32, #tpu.memory_space<hbm>>
        tpu.enqueue_dma source(%dma_start3A_90 : memref<512xf32, #tpu.memory_space<hbm>>) target(%dma_start3A_89 : memref<512xf32, #tpu.memory_space<vmem>>) target_semaphore(%run_scoped3A : memref<!tpu.dma_semaphore, #tpu.memory_space<semaphore_mem>>)
        %dma_wait3A = arith.constant 0 : i32
        %dma_wait3A_91 = tpu.memref_slice %arg4[%dma_wait3A] : memref<33792xf32, #tpu.memory_space<vmem>> -> memref<512xf32, #tpu.memory_space<vmem>>
        %dma_wait3A_92 = tpu.memref_slice %arg2[%add3A_48] : memref<1048576xf32, #tpu.memory_space<hbm>> -> memref<512xf32, #tpu.memory_space<hbm>>
        %dma_wait3A_93 = arith.constant 0 : i32
        %dma_wait3A_94 = tpu.memref_slice %arg4[%dma_wait3A_93] : memref<33792xf32, #tpu.memory_space<vmem>> -> memref<512xf32, #tpu.memory_space<vmem>>
        %dma_wait3A_95 = tpu.memref_slice %arg2[%add3A_48] : memref<1048576xf32, #tpu.memory_space<hbm>> -> memref<512xf32, #tpu.memory_space<hbm>>
        tpu.wait_dma2 semaphore(%run_scoped3A : memref<!tpu.dma_semaphore, #tpu.memory_space<semaphore_mem>>) src(%dma_wait3A_95 : memref<512xf32, #tpu.memory_space<hbm>>) dst(%dma_wait3A_94 : memref<512xf32, #tpu.memory_space<vmem>>)
        tpu.yield
      }) : () -> ()
      %mul3A_49 = arith.constant 512 : i32
      %mul3A_50 = arith.muli %mul3A_32, %mul3A_49 : i32
      %add3A_51 = arith.addi %mul3A_34, %mul3A_50 : i32
      "tpu.region"() ({
        %run_scoped3A = tpu.sem_alloc : memref<!tpu.dma_semaphore, #tpu.memory_space<semaphore_mem>>
        %dma_start3A = arith.constant 512 : i32
        %dma_start3A_86 = tpu.memref_slice %arg4[%dma_start3A] : memref<33792xf32, #tpu.memory_space<vmem>> -> memref<32768xf32, #tpu.memory_space<vmem>>
        %dma_start3A_87 = tpu.memref_slice %arg2[%add3A_51] : memref<1048576xf32, #tpu.memory_space<hbm>> -> memref<32768xf32, #tpu.memory_space<hbm>>
        %dma_start3A_88 = arith.constant 512 : i32
        %dma_start3A_89 = tpu.memref_slice %arg4[%dma_start3A_88] : memref<33792xf32, #tpu.memory_space<vmem>> -> memref<32768xf32, #tpu.memory_space<vmem>>
        %dma_start3A_90 = tpu.memref_slice %arg2[%add3A_51] : memref<1048576xf32, #tpu.memory_space<hbm>> -> memref<32768xf32, #tpu.memory_space<hbm>>
        tpu.enqueue_dma source(%dma_start3A_90 : memref<32768xf32, #tpu.memory_space<hbm>>) target(%dma_start3A_89 : memref<32768xf32, #tpu.memory_space<vmem>>) target_semaphore(%run_scoped3A : memref<!tpu.dma_semaphore, #tpu.memory_space<semaphore_mem>>)
        %dma_wait3A = arith.constant 512 : i32
        %dma_wait3A_91 = tpu.memref_slice %arg4[%dma_wait3A] : memref<33792xf32, #tpu.memory_space<vmem>> -> memref<32768xf32, #tpu.memory_space<vmem>>
        %dma_wait3A_92 = tpu.memref_slice %arg2[%add3A_51] : memref<1048576xf32, #tpu.memory_space<hbm>> -> memref<32768xf32, #tpu.memory_space<hbm>>
        %dma_wait3A_93 = arith.constant 512 : i32
        %dma_wait3A_94 = tpu.memref_slice %arg4[%dma_wait3A_93] : memref<33792xf32, #tpu.memory_space<vmem>> -> memref<32768xf32, #tpu.memory_space<vmem>>
        %dma_wait3A_95 = tpu.memref_slice %arg2[%add3A_51] : memref<1048576xf32, #tpu.memory_space<hbm>> -> memref<32768xf32, #tpu.memory_space<hbm>>
        tpu.wait_dma2 semaphore(%run_scoped3A : memref<!tpu.dma_semaphore, #tpu.memory_space<semaphore_mem>>) src(%dma_wait3A_95 : memref<32768xf32, #tpu.memory_space<hbm>>) dst(%dma_wait3A_94 : memref<32768xf32, #tpu.memory_space<vmem>>)
        tpu.yield
      }) : () -> ()
      %mul3A_52 = arith.constant 512 : i32
      %mul3A_53 = arith.muli %select_n3A_45, %mul3A_52 : i32
      %add3A_54 = arith.addi %mul3A_34, %mul3A_53 : i32
      "tpu.region"() ({
        %run_scoped3A = tpu.sem_alloc : memref<!tpu.dma_semaphore, #tpu.memory_space<semaphore_mem>>
        %dma_start3A = arith.constant 33280 : i32
        %dma_start3A_86 = tpu.memref_slice %arg4[%dma_start3A] : memref<33792xf32, #tpu.memory_space<vmem>> -> memref<512xf32, #tpu.memory_space<vmem>>
        %dma_start3A_87 = tpu.memref_slice %arg2[%add3A_54] : memref<1048576xf32, #tpu.memory_space<hbm>> -> memref<512xf32, #tpu.memory_space<hbm>>
        %dma_start3A_88 = arith.constant 33280 : i32
        %dma_start3A_89 = tpu.memref_slice %arg4[%dma_start3A_88] : memref<33792xf32, #tpu.memory_space<vmem>> -> memref<512xf32, #tpu.memory_space<vmem>>
        %dma_start3A_90 = tpu.memref_slice %arg2[%add3A_54] : memref<1048576xf32, #tpu.memory_space<hbm>> -> memref<512xf32, #tpu.memory_space<hbm>>
        tpu.enqueue_dma source(%dma_start3A_90 : memref<512xf32, #tpu.memory_space<hbm>>) target(%dma_start3A_89 : memref<512xf32, #tpu.memory_space<vmem>>) target_semaphore(%run_scoped3A : memref<!tpu.dma_semaphore, #tpu.memory_space<semaphore_mem>>)
        %dma_wait3A = arith.constant 33280 : i32
        %dma_wait3A_91 = tpu.memref_slice %arg4[%dma_wait3A] : memref<33792xf32, #tpu.memory_space<vmem>> -> memref<512xf32, #tpu.memory_space<vmem>>
        %dma_wait3A_92 = tpu.memref_slice %arg2[%add3A_54] : memref<1048576xf32, #tpu.memory_space<hbm>> -> memref<512xf32, #tpu.memory_space<hbm>>
        %dma_wait3A_93 = arith.constant 33280 : i32
        %dma_wait3A_94 = tpu.memref_slice %arg4[%dma_wait3A_93] : memref<33792xf32, #tpu.memory_space<vmem>> -> memref<512xf32, #tpu.memory_space<vmem>>
        %dma_wait3A_95 = tpu.memref_slice %arg2[%add3A_54] : memref<1048576xf32, #tpu.memory_space<hbm>> -> memref<512xf32, #tpu.memory_space<hbm>>
        tpu.wait_dma2 semaphore(%run_scoped3A : memref<!tpu.dma_semaphore, #tpu.memory_space<semaphore_mem>>) src(%dma_wait3A_95 : memref<512xf32, #tpu.memory_space<hbm>>) dst(%dma_wait3A_94 : memref<512xf32, #tpu.memory_space<vmem>>)
        tpu.yield
      }) : () -> ()
      %parallel_loop3A = arith.constant 0 : i32
      %parallel_loop3A_55 = arith.constant 2112 : i32
      %parallel_loop3A_56 = arith.constant 1 : i32
      scf.for %parallel_loop3A_86 = %parallel_loop3A to %parallel_loop3A_55 step %parallel_loop3A_56  : i32 {
        %parallel_loop3A_87 = arith.constant 16 : i32
        %parallel_loop3A_88 = arith.muli %parallel_loop3A_86, %parallel_loop3A_87 : i32
        %parallel_loop3A_89 = arith.index_cast %parallel_loop3A_88 : i32 to index
        %parallel_loop3A_90 = tpu.vector_load %arg4[%parallel_loop3A_89] {strides = array<i32>} : memref<33792xf32, #tpu.memory_space<vmem>>, vector<16xf32>,
        %parallel_loop3A_91 = tpu.bitcast %parallel_loop3A_90 : vector<16xf32> -> vector<16xi32>
        %parallel_loop3A_92 = arith.constant 32767 : i32
        %parallel_loop3A_93 = vector.broadcast %parallel_loop3A_92 : i32 to vector<16xi32>
        %parallel_loop3A_94 = arith.addi %parallel_loop3A_91, %parallel_loop3A_93 : vector<16xi32>
        %parallel_loop3A_95 = arith.constant 16 : i32
        %parallel_loop3A_96 = vector.broadcast %parallel_loop3A_95 : i32 to vector<16xi32>
        %parallel_loop3A_97 = arith.shrsi %parallel_loop3A_91, %parallel_loop3A_96 : vector<16xi32>
        %parallel_loop3A_98 = arith.constant 1 : i32
        %parallel_loop3A_99 = vector.broadcast %parallel_loop3A_98 : i32 to vector<16xi32>
        %parallel_loop3A_100 = arith.andi %parallel_loop3A_97, %parallel_loop3A_99 : vector<16xi32>
        %parallel_loop3A_101 = arith.addi %parallel_loop3A_94, %parallel_loop3A_100 : vector<16xi32>
        %parallel_loop3A_102 = arith.constant -65536 : i32
        %parallel_loop3A_103 = vector.broadcast %parallel_loop3A_102 : i32 to vector<16xi32>
        %parallel_loop3A_104 = arith.andi %parallel_loop3A_101, %parallel_loop3A_103 : vector<16xi32>
        %parallel_loop3A_105 = tpu.bitcast %parallel_loop3A_104 : vector<16xi32> -> vector<16xf32>
        %parallel_loop3A_106 = arith.constant 16 : i32
        %parallel_loop3A_107 = arith.muli %parallel_loop3A_86, %parallel_loop3A_106 : i32
        %parallel_loop3A_108 = arith.index_cast %parallel_loop3A_107 : i32 to index
        %parallel_loop3A_109 = tpu.vector_load %arg4[%parallel_loop3A_108] {strides = array<i32>} : memref<33792xf32, #tpu.memory_space<vmem>>, vector<16xf32>,
        tpu.vector_store %arg4[%parallel_loop3A_108], %parallel_loop3A_105 {strides = array<i32>} : memref<33792xf32, #tpu.memory_space<vmem>>, vector<16xf32>,
      } {sc.loop_unroll_factor = 4 : i64, sc.parallel_access}
      %scan3A_57 = arith.constant 0 : i32
      %scan3A_58 = arith.constant 0 : i32
      %scan3A_59 = arith.constant 8 : i32
      %scan3A_60 = arith.addi %scan3A_58, %scan3A_59 : i32
      %scan3A_61 = arith.constant 1 : i32
      scf.for %scan3A_86 = %scan3A_58 to %scan3A_60 step %scan3A_61  : i32 {
        %parallel_loop3A_87 = arith.constant 0 : i32
        %parallel_loop3A_88 = arith.constant 288 : i32
        %parallel_loop3A_89 = arith.constant 1 : i32
        scf.for %parallel_loop3A_257 = %parallel_loop3A_87 to %parallel_loop3A_88 step %parallel_loop3A_89  : i32 {
          %parallel_loop3A_258 = arith.constant 16 : i32
          %parallel_loop3A_259 = arith.muli %parallel_loop3A_257, %parallel_loop3A_258 : i32
          %parallel_loop3A_260 = arith.index_cast %parallel_loop3A_259 : i32 to index
          %parallel_loop3A_261 = tpu.vector_load %arg7[%parallel_loop3A_260] {strides = array<i32>} : memref<4608xf32, #tpu.memory_space<vmem>>, vector<16xf32>,
          tpu.vector_store %arg7[%parallel_loop3A_260], %broadcast_in_dim3A_4 {strides = array<i32>} : memref<4608xf32, #tpu.memory_space<vmem>>, vector<16xf32>,
        } {sc.loop_unroll_factor = 8 : i64, sc.parallel_access}
        %scan3A_90 = arith.constant 0 : i32
        %scan3A_91 = arith.constant 0 : i32
        %scan3A_92 = arith.constant 8 : i32
        %scan3A_93 = arith.addi %scan3A_91, %scan3A_92 : i32
        %scan3A_94 = arith.constant 1 : i32
        scf.for %scan3A_257 = %scan3A_91 to %scan3A_93 step %scan3A_94  : i32 {
          %mul3A_258 = arith.constant 8 : i32
          %mul3A_259 = arith.muli %scan3A_86, %mul3A_258 : i32
          %add3A_260 = arith.addi %mul3A_259, %scan3A_257 : i32
          %add3A_261 = arith.constant 1 : i32
          %add3A_262 = arith.addi %add3A_260, %add3A_261 : i32
          %mul3A_263 = arith.constant 512 : i32
          %mul3A_264 = arith.muli %add3A_262, %mul3A_263 : i32
          %parallel_loop3A_265 = arith.constant 0 : i32
          %parallel_loop3A_266 = arith.constant 32 : i32
          %parallel_loop3A_267 = arith.constant 1 : i32
          scf.for %parallel_loop3A_314 = %parallel_loop3A_265 to %parallel_loop3A_266 step %parallel_loop3A_267  : i32 {
            %parallel_loop3A_315 = arith.constant 16 : i32
            %parallel_loop3A_316 = arith.muli %parallel_loop3A_314, %parallel_loop3A_315 : i32
            %parallel_loop3A_317 = arith.addi %mul3A_264, %parallel_loop3A_316 : i32
            %parallel_loop3A_318 = arith.constant 512 : i32
            %parallel_loop3A_319 = arith.subi %parallel_loop3A_317, %parallel_loop3A_318 : i32
            %parallel_loop3A_320 = arith.index_cast %parallel_loop3A_319 : i32 to index
            %parallel_loop3A_321 = tpu.vector_load %arg4[%parallel_loop3A_320] {strides = array<i32>} : memref<33792xf32, #tpu.memory_space<vmem>>, vector<16xf32>,
            %parallel_loop3A_322 = arith.index_cast %parallel_loop3A_317 : i32 to index
            %parallel_loop3A_323 = tpu.vector_load %arg4[%parallel_loop3A_322] {strides = array<i32>} : memref<33792xf32, #tpu.memory_space<vmem>>, vector<16xf32>,
            %parallel_loop3A_324 = arith.constant 512 : i32
            %parallel_loop3A_325 = arith.addi %parallel_loop3A_317, %parallel_loop3A_324 : i32
            %parallel_loop3A_326 = arith.index_cast %parallel_loop3A_325 : i32 to index
            %parallel_loop3A_327 = tpu.vector_load %arg4[%parallel_loop3A_326] {strides = array<i32>} : memref<33792xf32, #tpu.memory_space<vmem>>, vector<16xf32>,
            %parallel_loop3A_328 = arith.constant 2.000000e+00 : f32
            %parallel_loop3A_329 = vector.broadcast %parallel_loop3A_328 : f32 to vector<16xf32>
            %parallel_loop3A_330 = arith.mulf %parallel_loop3A_329, %parallel_loop3A_323 : vector<16xf32>
            %parallel_loop3A_331 = arith.addf %parallel_loop3A_321, %parallel_loop3A_330 : vector<16xf32>
            %parallel_loop3A_332 = arith.addf %parallel_loop3A_331, %parallel_loop3A_327 : vector<16xf32>
            %parallel_loop3A_333 = arith.constant 16 : i32
            %parallel_loop3A_334 = arith.muli %parallel_loop3A_314, %parallel_loop3A_333 : i32
            %parallel_loop3A_335 = arith.constant 1 : i32
            %parallel_loop3A_336 = arith.addi %parallel_loop3A_335, %parallel_loop3A_334 : i32
            %parallel_loop3A_337 = arith.index_cast %parallel_loop3A_336 : i32 to index
            %parallel_loop3A_338 = tpu.vector_load %arg5[%parallel_loop3A_337] {strides = array<i32>} : memref<544xf32, #tpu.memory_space<vmem>>, vector<16xf32>,
            tpu.vector_store %arg5[%parallel_loop3A_337], %parallel_loop3A_332 {strides = array<i32>} : memref<544xf32, #tpu.memory_space<vmem>>, vector<16xf32>,
            %parallel_loop3A_339 = arith.subf %parallel_loop3A_321, %parallel_loop3A_327 : vector<16xf32>
            %parallel_loop3A_340 = arith.constant 16 : i32
            %parallel_loop3A_341 = arith.muli %parallel_loop3A_314, %parallel_loop3A_340 : i32
            %parallel_loop3A_342 = arith.constant 1 : i32
            %parallel_loop3A_343 = arith.addi %parallel_loop3A_342, %parallel_loop3A_341 : i32
            %parallel_loop3A_344 = arith.index_cast %parallel_loop3A_343 : i32 to index
            %parallel_loop3A_345 = tpu.vector_load %arg6[%parallel_loop3A_344] {strides = array<i32>} : memref<544xf32, #tpu.memory_space<vmem>>, vector<16xf32>,
            tpu.vector_store %arg6[%parallel_loop3A_344], %parallel_loop3A_339 {strides = array<i32>} : memref<544xf32, #tpu.memory_space<vmem>>, vector<16xf32>,
          } {sc.loop_unroll_factor = 8 : i64, sc.parallel_access}
          %get3A = arith.constant 0 : index
          %get3A_268 = tpu.vector_load %arg5[%get3A] {strides = array<i32>} : memref<544xf32, #tpu.memory_space<vmem>>, vector<16xf32>,
          %eq3A_269 = arith.constant 0 : i32
          %eq3A_270 = vector.broadcast %eq3A_269 : i32 to vector<16xi32>
          %eq3A_271 = arith.cmpi eq, %iota3A, %eq3A_270 : vector<16xi32>
          %slice3A = vector.extract_strided_slice %get3A_268 {offsets = [2], sizes = [1], strides = [1]} : vector<16xf32> to vector<1xf32>
          %squeeze3A = vector.extract %slice3A[0] : f32 from vector<1xf32>
          %broadcast_in_dim3A_272 = vector.broadcast %squeeze3A : f32 to vector<16xf32>
          %select_n3A_273 = arith.select %eq3A_271, %broadcast_in_dim3A_272, %get3A_268 : vector<16xi1>, vector<16xf32>
          %swap3A = arith.constant 0 : index
          %swap3A_274 = tpu.vector_load %arg5[%swap3A] {strides = array<i32>} : memref<544xf32, #tpu.memory_space<vmem>>, vector<16xf32>,
          tpu.vector_store %arg5[%swap3A], %select_n3A_273 {strides = array<i32>} : memref<544xf32, #tpu.memory_space<vmem>>, vector<16xf32>,
          %get3A_275 = arith.constant 510 : index
          %get3A_276 = tpu.vector_load %arg5[%get3A_275] {strides = array<i32>} : memref<544xf32, #tpu.memory_space<vmem>>, vector<16xf32>,
          %eq3A_277 = arith.constant 3 : i32
          %eq3A_278 = vector.broadcast %eq3A_277 : i32 to vector<16xi32>
          %eq3A_279 = arith.cmpi eq, %iota3A, %eq3A_278 : vector<16xi32>
          %slice3A_280 = vector.extract_strided_slice %get3A_276 {offsets = [1], sizes = [1], strides = [1]} : vector<16xf32> to vector<1xf32>
          %squeeze3A_281 = vector.extract %slice3A_280[0] : f32 from vector<1xf32>
          %broadcast_in_dim3A_282 = vector.broadcast %squeeze3A_281 : f32 to vector<16xf32>
          %select_n3A_283 = arith.select %eq3A_279, %broadcast_in_dim3A_282, %get3A_276 : vector<16xi1>, vector<16xf32>
          %swap3A_284 = arith.constant 510 : index
          %swap3A_285 = tpu.vector_load %arg5[%swap3A_284] {strides = array<i32>} : memref<544xf32, #tpu.memory_space<vmem>>, vector<16xf32>,
          tpu.vector_store %arg5[%swap3A_284], %select_n3A_283 {strides = array<i32>} : memref<544xf32, #tpu.memory_space<vmem>>, vector<16xf32>,
          %get3A_286 = arith.constant 0 : index
          %get3A_287 = tpu.vector_load %arg6[%get3A_286] {strides = array<i32>} : memref<544xf32, #tpu.memory_space<vmem>>, vector<16xf32>,
          %eq3A_288 = arith.constant 0 : i32
          %eq3A_289 = vector.broadcast %eq3A_288 : i32 to vector<16xi32>
          %eq3A_290 = arith.cmpi eq, %iota3A, %eq3A_289 : vector<16xi32>
          %slice3A_291 = vector.extract_strided_slice %get3A_287 {offsets = [2], sizes = [1], strides = [1]} : vector<16xf32> to vector<1xf32>
          %squeeze3A_292 = vector.extract %slice3A_291[0] : f32 from vector<1xf32>
          %broadcast_in_dim3A_293 = vector.broadcast %squeeze3A_292 : f32 to vector<16xf32>
          %select_n3A_294 = arith.select %eq3A_290, %broadcast_in_dim3A_293, %get3A_287 : vector<16xi1>, vector<16xf32>
          %swap3A_295 = arith.constant 0 : index
          %swap3A_296 = tpu.vector_load %arg6[%swap3A_295] {strides = array<i32>} : memref<544xf32, #tpu.memory_space<vmem>>, vector<16xf32>,
          tpu.vector_store %arg6[%swap3A_295], %select_n3A_294 {strides = array<i32>} : memref<544xf32, #tpu.memory_space<vmem>>, vector<16xf32>,
          %get3A_297 = arith.constant 510 : index
          %get3A_298 = tpu.vector_load %arg6[%get3A_297] {strides = array<i32>} : memref<544xf32, #tpu.memory_space<vmem>>, vector<16xf32>,
          %eq3A_299 = arith.constant 3 : i32
          %eq3A_300 = vector.broadcast %eq3A_299 : i32 to vector<16xi32>
          %eq3A_301 = arith.cmpi eq, %iota3A, %eq3A_300 : vector<16xi32>
          %slice3A_302 = vector.extract_strided_slice %get3A_298 {offsets = [1], sizes = [1], strides = [1]} : vector<16xf32> to vector<1xf32>
          %squeeze3A_303 = vector.extract %slice3A_302[0] : f32 from vector<1xf32>
          %broadcast_in_dim3A_304 = vector.broadcast %squeeze3A_303 : f32 to vector<16xf32>
          %select_n3A_305 = arith.select %eq3A_301, %broadcast_in_dim3A_304, %get3A_298 : vector<16xi1>, vector<16xf32>
          %swap3A_306 = arith.constant 510 : index
          %swap3A_307 = tpu.vector_load %arg6[%swap3A_306] {strides = array<i32>} : memref<544xf32, #tpu.memory_space<vmem>>, vector<16xf32>,
          tpu.vector_store %arg6[%swap3A_306], %select_n3A_305 {strides = array<i32>} : memref<544xf32, #tpu.memory_space<vmem>>, vector<16xf32>,
          %scan3A_308 = arith.constant 0 : i32
          %scan3A_309 = arith.constant 0 : i32
          %scan3A_310 = arith.constant 32 : i32
          %scan3A_311 = arith.addi %scan3A_309, %scan3A_310 : i32
          %scan3A_312 = arith.constant 1 : i32
          scf.for %scan3A_314 = %scan3A_309 to %scan3A_311 step %scan3A_312  : i32 {
            %mul3A_315 = arith.constant 16 : i32
            %mul3A_316 = arith.muli %scan3A_314, %mul3A_315 : i32
            %get3A_317 = arith.index_cast %mul3A_316 : i32 to index
            %get3A_318 = tpu.vector_load %arg5[%get3A_317] {strides = array<i32>} : memref<544xf32, #tpu.memory_space<vmem>>, vector<16xf32>,
            %add3A_319 = arith.constant 2 : i32
            %add3A_320 = arith.addi %mul3A_316, %add3A_319 : i32
            %get3A_321 = arith.index_cast %add3A_320 : i32 to index
            %get3A_322 = tpu.vector_load %arg5[%get3A_321] {strides = array<i32>} : memref<544xf32, #tpu.memory_space<vmem>>, vector<16xf32>,
            %sub3A_323 = arith.subf %get3A_318, %get3A_322 : vector<16xf32>
            %get3A_324 = arith.index_cast %mul3A_316 : i32 to index
            %get3A_325 = tpu.vector_load %arg6[%get3A_324] {strides = array<i32>} : memref<544xf32, #tpu.memory_space<vmem>>, vector<16xf32>,
            %add3A_326 = arith.constant 1 : i32
            %add3A_327 = arith.addi %mul3A_316, %add3A_326 : i32
            %get3A_328 = arith.index_cast %add3A_327 : i32 to index
            %get3A_329 = tpu.vector_load %arg6[%get3A_328] {strides = array<i32>} : memref<544xf32, #tpu.memory_space<vmem>>, vector<16xf32>,
            %mul3A_330 = arith.constant 2.000000e+00 : f32
            %mul3A_331 = vector.broadcast %mul3A_330 : f32 to vector<16xf32>
            %mul3A_332 = arith.mulf %mul3A_331, %get3A_329 : vector<16xf32>
            %add3A_333 = arith.addf %get3A_325, %mul3A_332 : vector<16xf32>
            %add3A_334 = arith.constant 2 : i32
            %add3A_335 = arith.addi %mul3A_316, %add3A_334 : i32
            %get3A_336 = arith.index_cast %add3A_335 : i32 to index
            %get3A_337 = tpu.vector_load %arg6[%get3A_336] {strides = array<i32>} : memref<544xf32, #tpu.memory_space<vmem>>, vector<16xf32>,
            %add3A_338 = arith.addf %add3A_333, %get3A_337 : vector<16xf32>
            %mul3A_339 = arith.mulf %sub3A_323, %sub3A_323 : vector<16xf32>
            %mul3A_340 = arith.mulf %add3A_338, %add3A_338 : vector<16xf32>
            %add3A_341 = arith.addf %mul3A_339, %mul3A_340 : vector<16xf32>
            %max3A_342 = arith.constant 1.000000e-30 : f32
            %max3A_343 = vector.broadcast %max3A_342 : f32 to vector<16xf32>
            %max3A_344 = arith.maximumf %add3A_341, %max3A_343 : vector<16xf32>
            %bitcast_convert_type3A_345 = tpu.bitcast %max3A_344 : vector<16xf32> -> vector<16xi32>
            %shift_right_arithmetic3A_346 = arith.constant 1 : i32
            %shift_right_arithmetic3A_347 = vector.broadcast %shift_right_arithmetic3A_346 : i32 to vector<16xi32>
            %shift_right_arithmetic3A_348 = arith.shrsi %bitcast_convert_type3A_345, %shift_right_arithmetic3A_347 : vector<16xi32>
            %sub3A_349 = arith.constant 1597463007 : i32
            %sub3A_350 = vector.broadcast %sub3A_349 : i32 to vector<16xi32>
            %sub3A_351 = arith.subi %sub3A_350, %shift_right_arithmetic3A_348 : vector<16xi32>
            %bitcast_convert_type3A_352 = tpu.bitcast %sub3A_351 : vector<16xi32> -> vector<16xf32>
            %mul3A_353 = arith.constant 5.000000e-01 : f32
            %mul3A_354 = vector.broadcast %mul3A_353 : f32 to vector<16xf32>
            %mul3A_355 = arith.mulf %mul3A_354, %max3A_344 : vector<16xf32>
            %mul3A_356 = arith.mulf %mul3A_355, %bitcast_convert_type3A_352 : vector<16xf32>
            %mul3A_357 = arith.mulf %mul3A_356, %bitcast_convert_type3A_352 : vector<16xf32>
            %sub3A_358 = arith.constant 1.500000e+00 : f32
            %sub3A_359 = vector.broadcast %sub3A_358 : f32 to vector<16xf32>
            %sub3A_360 = arith.subf %sub3A_359, %mul3A_357 : vector<16xf32>
            %mul3A_361 = arith.mulf %bitcast_convert_type3A_352, %sub3A_360 : vector<16xf32>
            %mul3A_362 = arith.constant 5.000000e-01 : f32
            %mul3A_363 = vector.broadcast %mul3A_362 : f32 to vector<16xf32>
            %mul3A_364 = arith.mulf %mul3A_363, %max3A_344 : vector<16xf32>
            %mul3A_365 = arith.mulf %mul3A_364, %mul3A_361 : vector<16xf32>
            %mul3A_366 = arith.mulf %mul3A_365, %mul3A_361 : vector<16xf32>
            %sub3A_367 = arith.constant 1.500000e+00 : f32
            %sub3A_368 = vector.broadcast %sub3A_367 : f32 to vector<16xf32>
            %sub3A_369 = arith.subf %sub3A_368, %mul3A_366 : vector<16xf32>
            %mul3A_370 = arith.mulf %mul3A_361, %sub3A_369 : vector<16xf32>
            %mul3A_371 = arith.mulf %add3A_341, %mul3A_370 : vector<16xf32>
            %abs3A = math.absf %sub3A_323 : vector<16xf32>
            %gt3A = arith.constant 0.000000e+00 : f32
            %gt3A_372 = vector.broadcast %gt3A : f32 to vector<16xf32>
            %gt3A_373 = arith.cmpf ogt, %sub3A_323, %gt3A_372 : vector<16xf32>
            %lt3A_374 = arith.constant 0.000000e+00 : f32
            %lt3A_375 = vector.broadcast %lt3A_374 : f32 to vector<16xf32>
            %lt3A_376 = arith.cmpf olt, %sub3A_323, %lt3A_375 : vector<16xf32>
            %neg3A = arith.constant 0.000000e+00 : f32
            %neg3A_377 = vector.broadcast %neg3A : f32 to vector<16xf32>
            %neg3A_378 = arith.subf %neg3A_377, %add3A_338 : vector<16xf32>
            %abs3A_379 = math.absf %add3A_338 : vector<16xf32>
            %select_n3A_380 = arith.select %lt3A_376, %neg3A_378, %abs3A_379 : vector<16xi1>, vector<16xf32>
            %select_n3A_381 = arith.select %gt3A_373, %add3A_338, %select_n3A_380 : vector<16xi1>, vector<16xf32>
            %div3A_382 = arith.divf %select_n3A_381, %abs3A : vector<16xf32>
            %le3A = arith.constant 2.74747753 : f32
            %le3A_383 = vector.broadcast %le3A : f32 to vector<16xf32>
            %le3A_384 = arith.cmpf ole, %div3A_382, %le3A_383 : vector<16xf32>
            %jit3A_385 = arith.constant 1 : i32
            %jit3A_386 = arith.constant 0 : i32
            %broadcast_in_dim3A_387 = vector.broadcast %jit3A_385 : i32 to vector<16xi32>
            %broadcast_in_dim3A_388 = vector.broadcast %jit3A_386 : i32 to vector<16xi32>
            %select_n3A_389 = arith.select %le3A_384, %broadcast_in_dim3A_387, %broadcast_in_dim3A_388 : vector<16xi1>, vector<16xi32>
            %le3A_390 = arith.constant 1.19175363 : f32
            %le3A_391 = vector.broadcast %le3A_390 : f32 to vector<16xf32>
            %le3A_392 = arith.cmpf ole, %div3A_382, %le3A_391 : vector<16xf32>
            %jit3A_393 = arith.constant 1 : i32
            %jit3A_394 = arith.constant 0 : i32
            %broadcast_in_dim3A_395 = vector.broadcast %jit3A_393 : i32 to vector<16xi32>
            %broadcast_in_dim3A_396 = vector.broadcast %jit3A_394 : i32 to vector<16xi32>
            %select_n3A_397 = arith.select %le3A_392, %broadcast_in_dim3A_395, %broadcast_in_dim3A_396 : vector<16xi1>, vector<16xi32>
            %add3A_398 = arith.addi %select_n3A_389, %select_n3A_397 : vector<16xi32>
            %le3A_399 = arith.constant 0.577350259 : f32
            %le3A_400 = vector.broadcast %le3A_399 : f32 to vector<16xf32>
            %le3A_401 = arith.cmpf ole, %div3A_382, %le3A_400 : vector<16xf32>
            %jit3A_402 = arith.constant 1 : i32
            %jit3A_403 = arith.constant 0 : i32
            %broadcast_in_dim3A_404 = vector.broadcast %jit3A_402 : i32 to vector<16xi32>
            %broadcast_in_dim3A_405 = vector.broadcast %jit3A_403 : i32 to vector<16xi32>
            %select_n3A_406 = arith.select %le3A_401, %broadcast_in_dim3A_404, %broadcast_in_dim3A_405 : vector<16xi1>, vector<16xi32>
            %add3A_407 = arith.addi %add3A_398, %select_n3A_406 : vector<16xi32>
            %le3A_408 = arith.constant 0.176326975 : f32
            %le3A_409 = vector.broadcast %le3A_408 : f32 to vector<16xf32>
            %le3A_410 = arith.cmpf ole, %div3A_382, %le3A_409 : vector<16xf32>
            %jit3A_411 = arith.constant 1 : i32
            %jit3A_412 = arith.constant 0 : i32
            %broadcast_in_dim3A_413 = vector.broadcast %jit3A_411 : i32 to vector<16xi32>
            %broadcast_in_dim3A_414 = vector.broadcast %jit3A_412 : i32 to vector<16xi32>
            %select_n3A_415 = arith.select %le3A_410, %broadcast_in_dim3A_413, %broadcast_in_dim3A_414 : vector<16xi1>, vector<16xi32>
            %add3A_416 = arith.addi %add3A_407, %select_n3A_415 : vector<16xi32>
            %le3A_417 = arith.constant -0.176326975 : f32
            %le3A_418 = vector.broadcast %le3A_417 : f32 to vector<16xf32>
            %le3A_419 = arith.cmpf ole, %div3A_382, %le3A_418 : vector<16xf32>
            %jit3A_420 = arith.constant 1 : i32
            %jit3A_421 = arith.constant 0 : i32
            %broadcast_in_dim3A_422 = vector.broadcast %jit3A_420 : i32 to vector<16xi32>
            %broadcast_in_dim3A_423 = vector.broadcast %jit3A_421 : i32 to vector<16xi32>
            %select_n3A_424 = arith.select %le3A_419, %broadcast_in_dim3A_422, %broadcast_in_dim3A_423 : vector<16xi1>, vector<16xi32>
            %add3A_425 = arith.addi %add3A_416, %select_n3A_424 : vector<16xi32>
            %le3A_426 = arith.constant -0.577350259 : f32
            %le3A_427 = vector.broadcast %le3A_426 : f32 to vector<16xf32>
            %le3A_428 = arith.cmpf ole, %div3A_382, %le3A_427 : vector<16xf32>
            %jit3A_429 = arith.constant 1 : i32
            %jit3A_430 = arith.constant 0 : i32
            %broadcast_in_dim3A_431 = vector.broadcast %jit3A_429 : i32 to vector<16xi32>
            %broadcast_in_dim3A_432 = vector.broadcast %jit3A_430 : i32 to vector<16xi32>
            %select_n3A_433 = arith.select %le3A_428, %broadcast_in_dim3A_431, %broadcast_in_dim3A_432 : vector<16xi1>, vector<16xi32>
            %add3A_434 = arith.addi %add3A_425, %select_n3A_433 : vector<16xi32>
            %le3A_435 = arith.constant -1.19175363 : f32
            %le3A_436 = vector.broadcast %le3A_435 : f32 to vector<16xf32>
            %le3A_437 = arith.cmpf ole, %div3A_382, %le3A_436 : vector<16xf32>
            %jit3A_438 = arith.constant 1 : i32
            %jit3A_439 = arith.constant 0 : i32
            %broadcast_in_dim3A_440 = vector.broadcast %jit3A_438 : i32 to vector<16xi32>
            %broadcast_in_dim3A_441 = vector.broadcast %jit3A_439 : i32 to vector<16xi32>
            %select_n3A_442 = arith.select %le3A_437, %broadcast_in_dim3A_440, %broadcast_in_dim3A_441 : vector<16xi1>, vector<16xi32>
            %add3A_443 = arith.addi %add3A_434, %select_n3A_442 : vector<16xi32>
            %le3A_444 = arith.constant -2.74747753 : f32
            %le3A_445 = vector.broadcast %le3A_444 : f32 to vector<16xf32>
            %le3A_446 = arith.cmpf ole, %div3A_382, %le3A_445 : vector<16xf32>
            %jit3A_447 = arith.constant 1 : i32
            %jit3A_448 = arith.constant 0 : i32
            %broadcast_in_dim3A_449 = vector.broadcast %jit3A_447 : i32 to vector<16xi32>
            %broadcast_in_dim3A_450 = vector.broadcast %jit3A_448 : i32 to vector<16xi32>
            %select_n3A_451 = arith.select %le3A_446, %broadcast_in_dim3A_449, %broadcast_in_dim3A_450 : vector<16xi1>, vector<16xi32>
            %add3A_452 = arith.addi %add3A_443, %select_n3A_451 : vector<16xi32>
            %mul3A_453 = arith.constant 512 : i32
            %mul3A_454 = vector.broadcast %mul3A_453 : i32 to vector<16xi32>
            %mul3A_455 = arith.muli %add3A_452, %mul3A_454 : vector<16xi32>
            %add3A_456 = vector.broadcast %mul3A_316 : i32 to vector<16xi32>
            %add3A_457 = arith.addi %add3A_456, %iota3A : vector<16xi32>
            %add3A_458 = arith.addi %mul3A_455, %add3A_457 : vector<16xi32>
            tpu.vector_store_idx %arg7[%add3A_458], %mul3A_371 {add = true} : memref<4608xf32, #tpu.memory_space<vmem>>[vector<16xi32>], vector<16xf32>,
          }
          %scan3A_313 = arith.constant 32 : i32
        }
        %scan3A_95 = arith.constant 8 : i32
        %scan3A_96 = arith.constant 0 : i32
        %scan3A_97 = arith.constant 9 : i32
        %scan3A_98 = arith.addi %scan3A_96, %scan3A_97 : i32
        %scan3A_99 = arith.constant 1 : i32
        %scan3A_100:4 = scf.for %scan3A_257 = %scan3A_96 to %scan3A_98 step %scan3A_99 iter_args(%scan3A_258 = %broadcast_in_dim3A_4, %scan3A_259 = %broadcast_in_dim3A_4, %scan3A_260 = %broadcast_in_dim3A_4, %scan3A_261 = %broadcast_in_dim3A_4) -> (vector<16xf32>, vector<16xf32>, vector<16xf32>, vector<16xf32>)  : i32 {
          %mul3A_262 = arith.constant 512 : i32
          %mul3A_263 = arith.muli %scan3A_257, %mul3A_262 : i32
          %add3A_264 = arith.constant 0 : i32
          %add3A_265 = arith.addi %mul3A_263, %add3A_264 : i32
          %add3A_266 = vector.broadcast %add3A_265 : i32 to vector<16xi32>
          %add3A_267 = arith.addi %add3A_266, %mul3A_3 : vector<16xi32>
          %gather3A = tpu.vector_load_idx %arg7[%add3A_267] : memref<4608xf32, #tpu.memory_space<vmem>>[vector<16xi32>], vector<16xf32>,
          %add3A_268 = arith.constant 1 : i32
          %add3A_269 = arith.addi %add3A_265, %add3A_268 : i32
          %add3A_270 = vector.broadcast %add3A_269 : i32 to vector<16xi32>
          %add3A_271 = arith.addi %add3A_270, %mul3A_3 : vector<16xi32>
          %gather3A_272 = tpu.vector_load_idx %arg7[%add3A_271] : memref<4608xf32, #tpu.memory_space<vmem>>[vector<16xi32>], vector<16xf32>,
          %add3A_273 = arith.addf %gather3A, %gather3A_272 : vector<16xf32>
          %add3A_274 = arith.constant 2 : i32
          %add3A_275 = arith.addi %add3A_265, %add3A_274 : i32
          %add3A_276 = vector.broadcast %add3A_275 : i32 to vector<16xi32>
          %add3A_277 = arith.addi %add3A_276, %mul3A_3 : vector<16xi32>
          %gather3A_278 = tpu.vector_load_idx %arg7[%add3A_277] : memref<4608xf32, #tpu.memory_space<vmem>>[vector<16xi32>], vector<16xf32>,
          %add3A_279 = arith.addf %add3A_273, %gather3A_278 : vector<16xf32>
          %add3A_280 = arith.constant 3 : i32
          %add3A_281 = arith.addi %add3A_265, %add3A_280 : i32
          %add3A_282 = vector.broadcast %add3A_281 : i32 to vector<16xi32>
          %add3A_283 = arith.addi %add3A_282, %mul3A_3 : vector<16xi32>
          %gather3A_284 = tpu.vector_load_idx %arg7[%add3A_283] : memref<4608xf32, #tpu.memory_space<vmem>>[vector<16xi32>], vector<16xf32>,
          %add3A_285 = arith.addf %add3A_279, %gather3A_284 : vector<16xf32>
          %add3A_286 = arith.constant 4 : i32
          %add3A_287 = arith.addi %add3A_265, %add3A_286 : i32
          %add3A_288 = vector.broadcast %add3A_287 : i32 to vector<16xi32>
          %add3A_289 = arith.addi %add3A_288, %mul3A_3 : vector<16xi32>
          %gather3A_290 = tpu.vector_load_idx %arg7[%add3A_289] : memref<4608xf32, #tpu.memory_space<vmem>>[vector<16xi32>], vector<16xf32>,
          %add3A_291 = arith.addf %add3A_285, %gather3A_290 : vector<16xf32>
          %add3A_292 = arith.constant 5 : i32
          %add3A_293 = arith.addi %add3A_265, %add3A_292 : i32
          %add3A_294 = vector.broadcast %add3A_293 : i32 to vector<16xi32>
          %add3A_295 = arith.addi %add3A_294, %mul3A_3 : vector<16xi32>
          %gather3A_296 = tpu.vector_load_idx %arg7[%add3A_295] : memref<4608xf32, #tpu.memory_space<vmem>>[vector<16xi32>], vector<16xf32>,
          %add3A_297 = arith.addf %add3A_291, %gather3A_296 : vector<16xf32>
          %add3A_298 = arith.constant 6 : i32
          %add3A_299 = arith.addi %add3A_265, %add3A_298 : i32
          %add3A_300 = vector.broadcast %add3A_299 : i32 to vector<16xi32>
          %add3A_301 = arith.addi %add3A_300, %mul3A_3 : vector<16xi32>
          %gather3A_302 = tpu.vector_load_idx %arg7[%add3A_301] : memref<4608xf32, #tpu.memory_space<vmem>>[vector<16xi32>], vector<16xf32>,
          %add3A_303 = arith.addf %add3A_297, %gather3A_302 : vector<16xf32>
          %add3A_304 = arith.constant 7 : i32
          %add3A_305 = arith.addi %add3A_265, %add3A_304 : i32
          %add3A_306 = vector.broadcast %add3A_305 : i32 to vector<16xi32>
          %add3A_307 = arith.addi %add3A_306, %mul3A_3 : vector<16xi32>
          %gather3A_308 = tpu.vector_load_idx %arg7[%add3A_307] : memref<4608xf32, #tpu.memory_space<vmem>>[vector<16xi32>], vector<16xf32>,
          %add3A_309 = arith.addf %add3A_303, %gather3A_308 : vector<16xf32>
          %mul3A_310 = arith.constant 512 : i32
          %mul3A_311 = arith.muli %scan3A_257, %mul3A_310 : i32
          %add3A_312 = arith.constant 448 : i32
          %add3A_313 = arith.addi %mul3A_311, %add3A_312 : i32
          %add3A_314 = arith.constant 0 : i32
          %add3A_315 = arith.addi %add3A_313, %add3A_314 : i32
          %swap3A = arith.index_cast %add3A_315 : i32 to index
          %swap3A_316 = tpu.vector_load %arg8[%swap3A] {strides = array<i32>} : memref<4608xf32, #tpu.memory_space<vmem>>, vector<16xf32>,
          tpu.vector_store %arg8[%swap3A], %add3A_309 {strides = array<i32>} : memref<4608xf32, #tpu.memory_space<vmem>>, vector<16xf32>,
          %mul3A_317 = arith.mulf %add3A_309, %add3A_309 : vector<16xf32>
          %mul3A_318 = arith.constant 512 : i32
          %mul3A_319 = arith.muli %scan3A_257, %mul3A_318 : i32
          %add3A_320 = arith.constant 128 : i32
          %add3A_321 = arith.addi %mul3A_319, %add3A_320 : i32
          %add3A_322 = vector.broadcast %add3A_321 : i32 to vector<16xi32>
          %add3A_323 = arith.addi %add3A_322, %mul3A_3 : vector<16xi32>
          %gather3A_324 = tpu.vector_load_idx %arg7[%add3A_323] : memref<4608xf32, #tpu.memory_space<vmem>>[vector<16xi32>], vector<16xf32>,
          %add3A_325 = arith.constant 1 : i32
          %add3A_326 = arith.addi %add3A_321, %add3A_325 : i32
          %add3A_327 = vector.broadcast %add3A_326 : i32 to vector<16xi32>
          %add3A_328 = arith.addi %add3A_327, %mul3A_3 : vector<16xi32>
          %gather3A_329 = tpu.vector_load_idx %arg7[%add3A_328] : memref<4608xf32, #tpu.memory_space<vmem>>[vector<16xi32>], vector<16xf32>,
          %add3A_330 = arith.addf %gather3A_324, %gather3A_329 : vector<16xf32>
          %add3A_331 = arith.constant 2 : i32
          %add3A_332 = arith.addi %add3A_321, %add3A_331 : i32
          %add3A_333 = vector.broadcast %add3A_332 : i32 to vector<16xi32>
          %add3A_334 = arith.addi %add3A_333, %mul3A_3 : vector<16xi32>
          %gather3A_335 = tpu.vector_load_idx %arg7[%add3A_334] : memref<4608xf32, #tpu.memory_space<vmem>>[vector<16xi32>], vector<16xf32>,
          %add3A_336 = arith.addf %add3A_330, %gather3A_335 : vector<16xf32>
          %add3A_337 = arith.constant 3 : i32
          %add3A_338 = arith.addi %add3A_321, %add3A_337 : i32
          %add3A_339 = vector.broadcast %add3A_338 : i32 to vector<16xi32>
          %add3A_340 = arith.addi %add3A_339, %mul3A_3 : vector<16xi32>
          %gather3A_341 = tpu.vector_load_idx %arg7[%add3A_340] : memref<4608xf32, #tpu.memory_space<vmem>>[vector<16xi32>], vector<16xf32>,
          %add3A_342 = arith.addf %add3A_336, %gather3A_341 : vector<16xf32>
          %add3A_343 = arith.constant 4 : i32
          %add3A_344 = arith.addi %add3A_321, %add3A_343 : i32
          %add3A_345 = vector.broadcast %add3A_344 : i32 to vector<16xi32>
          %add3A_346 = arith.addi %add3A_345, %mul3A_3 : vector<16xi32>
          %gather3A_347 = tpu.vector_load_idx %arg7[%add3A_346] : memref<4608xf32, #tpu.memory_space<vmem>>[vector<16xi32>], vector<16xf32>,
          %add3A_348 = arith.addf %add3A_342, %gather3A_347 : vector<16xf32>
          %add3A_349 = arith.constant 5 : i32
          %add3A_350 = arith.addi %add3A_321, %add3A_349 : i32
          %add3A_351 = vector.broadcast %add3A_350 : i32 to vector<16xi32>
          %add3A_352 = arith.addi %add3A_351, %mul3A_3 : vector<16xi32>
          %gather3A_353 = tpu.vector_load_idx %arg7[%add3A_352] : memref<4608xf32, #tpu.memory_space<vmem>>[vector<16xi32>], vector<16xf32>,
          %add3A_354 = arith.addf %add3A_348, %gather3A_353 : vector<16xf32>
          %add3A_355 = arith.constant 6 : i32
          %add3A_356 = arith.addi %add3A_321, %add3A_355 : i32
          %add3A_357 = vector.broadcast %add3A_356 : i32 to vector<16xi32>
          %add3A_358 = arith.addi %add3A_357, %mul3A_3 : vector<16xi32>
          %gather3A_359 = tpu.vector_load_idx %arg7[%add3A_358] : memref<4608xf32, #tpu.memory_space<vmem>>[vector<16xi32>], vector<16xf32>,
          %add3A_360 = arith.addf %add3A_354, %gather3A_359 : vector<16xf32>
          %add3A_361 = arith.constant 7 : i32
          %add3A_362 = arith.addi %add3A_321, %add3A_361 : i32
          %add3A_363 = vector.broadcast %add3A_362 : i32 to vector<16xi32>
          %add3A_364 = arith.addi %add3A_363, %mul3A_3 : vector<16xi32>
          %gather3A_365 = tpu.vector_load_idx %arg7[%add3A_364] : memref<4608xf32, #tpu.memory_space<vmem>>[vector<16xi32>], vector<16xf32>,
          %add3A_366 = arith.addf %add3A_360, %gather3A_365 : vector<16xf32>
          %mul3A_367 = arith.constant 512 : i32
          %mul3A_368 = arith.muli %scan3A_257, %mul3A_367 : i32
          %add3A_369 = arith.constant 448 : i32
          %add3A_370 = arith.addi %mul3A_368, %add3A_369 : i32
          %add3A_371 = arith.constant 16 : i32
          %add3A_372 = arith.addi %add3A_370, %add3A_371 : i32
          %swap3A_373 = arith.index_cast %add3A_372 : i32 to index
          %swap3A_374 = tpu.vector_load %arg8[%swap3A_373] {strides = array<i32>} : memref<4608xf32, #tpu.memory_space<vmem>>, vector<16xf32>,
          tpu.vector_store %arg8[%swap3A_373], %add3A_366 {strides = array<i32>} : memref<4608xf32, #tpu.memory_space<vmem>>, vector<16xf32>,
          %mul3A_375 = arith.mulf %add3A_366, %add3A_366 : vector<16xf32>
          %mul3A_376 = arith.constant 512 : i32
          %mul3A_377 = arith.muli %scan3A_257, %mul3A_376 : i32
          %add3A_378 = arith.constant 256 : i32
          %add3A_379 = arith.addi %mul3A_377, %add3A_378 : i32
          %add3A_380 = vector.broadcast %add3A_379 : i32 to vector<16xi32>
          %add3A_381 = arith.addi %add3A_380, %mul3A_3 : vector<16xi32>
          %gather3A_382 = tpu.vector_load_idx %arg7[%add3A_381] : memref<4608xf32, #tpu.memory_space<vmem>>[vector<16xi32>], vector<16xf32>,
          %add3A_383 = arith.constant 1 : i32
          %add3A_384 = arith.addi %add3A_379, %add3A_383 : i32
          %add3A_385 = vector.broadcast %add3A_384 : i32 to vector<16xi32>
          %add3A_386 = arith.addi %add3A_385, %mul3A_3 : vector<16xi32>
          %gather3A_387 = tpu.vector_load_idx %arg7[%add3A_386] : memref<4608xf32, #tpu.memory_space<vmem>>[vector<16xi32>], vector<16xf32>,
          %add3A_388 = arith.addf %gather3A_382, %gather3A_387 : vector<16xf32>
          %add3A_389 = arith.constant 2 : i32
          %add3A_390 = arith.addi %add3A_379, %add3A_389 : i32
          %add3A_391 = vector.broadcast %add3A_390 : i32 to vector<16xi32>
          %add3A_392 = arith.addi %add3A_391, %mul3A_3 : vector<16xi32>
          %gather3A_393 = tpu.vector_load_idx %arg7[%add3A_392] : memref<4608xf32, #tpu.memory_space<vmem>>[vector<16xi32>], vector<16xf32>,
          %add3A_394 = arith.addf %add3A_388, %gather3A_393 : vector<16xf32>
          %add3A_395 = arith.constant 3 : i32
          %add3A_396 = arith.addi %add3A_379, %add3A_395 : i32
          %add3A_397 = vector.broadcast %add3A_396 : i32 to vector<16xi32>
          %add3A_398 = arith.addi %add3A_397, %mul3A_3 : vector<16xi32>
          %gather3A_399 = tpu.vector_load_idx %arg7[%add3A_398] : memref<4608xf32, #tpu.memory_space<vmem>>[vector<16xi32>], vector<16xf32>,
          %add3A_400 = arith.addf %add3A_394, %gather3A_399 : vector<16xf32>
          %add3A_401 = arith.constant 4 : i32
          %add3A_402 = arith.addi %add3A_379, %add3A_401 : i32
          %add3A_403 = vector.broadcast %add3A_402 : i32 to vector<16xi32>
          %add3A_404 = arith.addi %add3A_403, %mul3A_3 : vector<16xi32>
          %gather3A_405 = tpu.vector_load_idx %arg7[%add3A_404] : memref<4608xf32, #tpu.memory_space<vmem>>[vector<16xi32>], vector<16xf32>,
          %add3A_406 = arith.addf %add3A_400, %gather3A_405 : vector<16xf32>
          %add3A_407 = arith.constant 5 : i32
          %add3A_408 = arith.addi %add3A_379, %add3A_407 : i32
          %add3A_409 = vector.broadcast %add3A_408 : i32 to vector<16xi32>
          %add3A_410 = arith.addi %add3A_409, %mul3A_3 : vector<16xi32>
          %gather3A_411 = tpu.vector_load_idx %arg7[%add3A_410] : memref<4608xf32, #tpu.memory_space<vmem>>[vector<16xi32>], vector<16xf32>,
          %add3A_412 = arith.addf %add3A_406, %gather3A_411 : vector<16xf32>
          %add3A_413 = arith.constant 6 : i32
          %add3A_414 = arith.addi %add3A_379, %add3A_413 : i32
          %add3A_415 = vector.broadcast %add3A_414 : i32 to vector<16xi32>
          %add3A_416 = arith.addi %add3A_415, %mul3A_3 : vector<16xi32>
          %gather3A_417 = tpu.vector_load_idx %arg7[%add3A_416] : memref<4608xf32, #tpu.memory_space<vmem>>[vector<16xi32>], vector<16xf32>,
          %add3A_418 = arith.addf %add3A_412, %gather3A_417 : vector<16xf32>
          %add3A_419 = arith.constant 7 : i32
          %add3A_420 = arith.addi %add3A_379, %add3A_419 : i32
          %add3A_421 = vector.broadcast %add3A_420 : i32 to vector<16xi32>
          %add3A_422 = arith.addi %add3A_421, %mul3A_3 : vector<16xi32>
          %gather3A_423 = tpu.vector_load_idx %arg7[%add3A_422] : memref<4608xf32, #tpu.memory_space<vmem>>[vector<16xi32>], vector<16xf32>,
          %add3A_424 = arith.addf %add3A_418, %gather3A_423 : vector<16xf32>
          %mul3A_425 = arith.constant 512 : i32
          %mul3A_426 = arith.muli %scan3A_257, %mul3A_425 : i32
          %add3A_427 = arith.constant 448 : i32
          %add3A_428 = arith.addi %mul3A_426, %add3A_427 : i32
          %add3A_429 = arith.constant 32 : i32
          %add3A_430 = arith.addi %add3A_428, %add3A_429 : i32
          %swap3A_431 = arith.index_cast %add3A_430 : i32 to index
          %swap3A_432 = tpu.vector_load %arg8[%swap3A_431] {strides = array<i32>} : memref<4608xf32, #tpu.memory_space<vmem>>, vector<16xf32>,
          tpu.vector_store %arg8[%swap3A_431], %add3A_424 {strides = array<i32>} : memref<4608xf32, #tpu.memory_space<vmem>>, vector<16xf32>,
          %mul3A_433 = arith.mulf %add3A_424, %add3A_424 : vector<16xf32>
          %mul3A_434 = arith.constant 512 : i32
          %mul3A_435 = arith.muli %scan3A_257, %mul3A_434 : i32
          %add3A_436 = arith.constant 384 : i32
          %add3A_437 = arith.addi %mul3A_435, %add3A_436 : i32
          %add3A_438 = vector.broadcast %add3A_437 : i32 to vector<16xi32>
          %add3A_439 = arith.addi %add3A_438, %mul3A_3 : vector<16xi32>
          %gather3A_440 = tpu.vector_load_idx %arg7[%add3A_439] : memref<4608xf32, #tpu.memory_space<vmem>>[vector<16xi32>], vector<16xf32>,
          %add3A_441 = arith.constant 1 : i32
          %add3A_442 = arith.addi %add3A_437, %add3A_441 : i32
          %add3A_443 = vector.broadcast %add3A_442 : i32 to vector<16xi32>
          %add3A_444 = arith.addi %add3A_443, %mul3A_3 : vector<16xi32>
          %gather3A_445 = tpu.vector_load_idx %arg7[%add3A_444] : memref<4608xf32, #tpu.memory_space<vmem>>[vector<16xi32>], vector<16xf32>,
          %add3A_446 = arith.addf %gather3A_440, %gather3A_445 : vector<16xf32>
          %add3A_447 = arith.constant 2 : i32
          %add3A_448 = arith.addi %add3A_437, %add3A_447 : i32
          %add3A_449 = vector.broadcast %add3A_448 : i32 to vector<16xi32>
          %add3A_450 = arith.addi %add3A_449, %mul3A_3 : vector<16xi32>
          %gather3A_451 = tpu.vector_load_idx %arg7[%add3A_450] : memref<4608xf32, #tpu.memory_space<vmem>>[vector<16xi32>], vector<16xf32>,
          %add3A_452 = arith.addf %add3A_446, %gather3A_451 : vector<16xf32>
          %add3A_453 = arith.constant 3 : i32
          %add3A_454 = arith.addi %add3A_437, %add3A_453 : i32
          %add3A_455 = vector.broadcast %add3A_454 : i32 to vector<16xi32>
          %add3A_456 = arith.addi %add3A_455, %mul3A_3 : vector<16xi32>
          %gather3A_457 = tpu.vector_load_idx %arg7[%add3A_456] : memref<4608xf32, #tpu.memory_space<vmem>>[vector<16xi32>], vector<16xf32>,
          %add3A_458 = arith.addf %add3A_452, %gather3A_457 : vector<16xf32>
          %add3A_459 = arith.constant 4 : i32
          %add3A_460 = arith.addi %add3A_437, %add3A_459 : i32
          %add3A_461 = vector.broadcast %add3A_460 : i32 to vector<16xi32>
          %add3A_462 = arith.addi %add3A_461, %mul3A_3 : vector<16xi32>
          %gather3A_463 = tpu.vector_load_idx %arg7[%add3A_462] : memref<4608xf32, #tpu.memory_space<vmem>>[vector<16xi32>], vector<16xf32>,
          %add3A_464 = arith.addf %add3A_458, %gather3A_463 : vector<16xf32>
          %add3A_465 = arith.constant 5 : i32
          %add3A_466 = arith.addi %add3A_437, %add3A_465 : i32
          %add3A_467 = vector.broadcast %add3A_466 : i32 to vector<16xi32>
          %add3A_468 = arith.addi %add3A_467, %mul3A_3 : vector<16xi32>
          %gather3A_469 = tpu.vector_load_idx %arg7[%add3A_468] : memref<4608xf32, #tpu.memory_space<vmem>>[vector<16xi32>], vector<16xf32>,
          %add3A_470 = arith.addf %add3A_464, %gather3A_469 : vector<16xf32>
          %add3A_471 = arith.constant 6 : i32
          %add3A_472 = arith.addi %add3A_437, %add3A_471 : i32
          %add3A_473 = vector.broadcast %add3A_472 : i32 to vector<16xi32>
          %add3A_474 = arith.addi %add3A_473, %mul3A_3 : vector<16xi32>
          %gather3A_475 = tpu.vector_load_idx %arg7[%add3A_474] : memref<4608xf32, #tpu.memory_space<vmem>>[vector<16xi32>], vector<16xf32>,
          %add3A_476 = arith.addf %add3A_470, %gather3A_475 : vector<16xf32>
          %add3A_477 = arith.constant 7 : i32
          %add3A_478 = arith.addi %add3A_437, %add3A_477 : i32
          %add3A_479 = vector.broadcast %add3A_478 : i32 to vector<16xi32>
          %add3A_480 = arith.addi %add3A_479, %mul3A_3 : vector<16xi32>
          %gather3A_481 = tpu.vector_load_idx %arg7[%add3A_480] : memref<4608xf32, #tpu.memory_space<vmem>>[vector<16xi32>], vector<16xf32>,
          %add3A_482 = arith.addf %add3A_476, %gather3A_481 : vector<16xf32>
          %mul3A_483 = arith.constant 512 : i32
          %mul3A_484 = arith.muli %scan3A_257, %mul3A_483 : i32
          %add3A_485 = arith.constant 448 : i32
          %add3A_486 = arith.addi %mul3A_484, %add3A_485 : i32
          %add3A_487 = arith.constant 48 : i32
          %add3A_488 = arith.addi %add3A_486, %add3A_487 : i32
          %swap3A_489 = arith.index_cast %add3A_488 : i32 to index
          %swap3A_490 = tpu.vector_load %arg8[%swap3A_489] {strides = array<i32>} : memref<4608xf32, #tpu.memory_space<vmem>>, vector<16xf32>,
          tpu.vector_store %arg8[%swap3A_489], %add3A_482 {strides = array<i32>} : memref<4608xf32, #tpu.memory_space<vmem>>, vector<16xf32>,
          %mul3A_491 = arith.mulf %add3A_482, %add3A_482 : vector<16xf32>
          %add3A_492 = arith.addf %scan3A_258, %mul3A_317 : vector<16xf32>
          %add3A_493 = arith.addf %scan3A_259, %mul3A_375 : vector<16xf32>
          %add3A_494 = arith.addf %scan3A_260, %mul3A_433 : vector<16xf32>
          %add3A_495 = arith.addf %scan3A_261, %mul3A_491 : vector<16xf32>
          scf.yield %add3A_492, %add3A_493, %add3A_494, %add3A_495 : vector<16xf32>, vector<16xf32>, vector<16xf32>, vector<16xf32>
        }
        %scan3A_101 = arith.constant 9 : i32
        %max3A = arith.constant 4.096000e-21 : f32
        %max3A_102 = vector.broadcast %max3A : f32 to vector<16xf32>
        %max3A_103 = arith.maximumf %scan3A_100#0, %max3A_102 : vector<16xf32>
        %bitcast_convert_type3A = tpu.bitcast %max3A_103 : vector<16xf32> -> vector<16xi32>
        %shift_right_arithmetic3A = arith.constant 1 : i32
        %shift_right_arithmetic3A_104 = vector.broadcast %shift_right_arithmetic3A : i32 to vector<16xi32>
        %shift_right_arithmetic3A_105 = arith.shrsi %bitcast_convert_type3A, %shift_right_arithmetic3A_104 : vector<16xi32>
        %sub3A_106 = arith.constant 1597463007 : i32
        %sub3A_107 = vector.broadcast %sub3A_106 : i32 to vector<16xi32>
        %sub3A_108 = arith.subi %sub3A_107, %shift_right_arithmetic3A_105 : vector<16xi32>
        %bitcast_convert_type3A_109 = tpu.bitcast %sub3A_108 : vector<16xi32> -> vector<16xf32>
        %mul3A_110 = arith.constant 5.000000e-01 : f32
        %mul3A_111 = vector.broadcast %mul3A_110 : f32 to vector<16xf32>
        %mul3A_112 = arith.mulf %mul3A_111, %max3A_103 : vector<16xf32>
        %mul3A_113 = arith.mulf %mul3A_112, %bitcast_convert_type3A_109 : vector<16xf32>
        %mul3A_114 = arith.mulf %mul3A_113, %bitcast_convert_type3A_109 : vector<16xf32>
        %sub3A_115 = arith.constant 1.500000e+00 : f32
        %sub3A_116 = vector.broadcast %sub3A_115 : f32 to vector<16xf32>
        %sub3A_117 = arith.subf %sub3A_116, %mul3A_114 : vector<16xf32>
        %mul3A_118 = arith.mulf %bitcast_convert_type3A_109, %sub3A_117 : vector<16xf32>
        %mul3A_119 = arith.constant 5.000000e-01 : f32
        %mul3A_120 = vector.broadcast %mul3A_119 : f32 to vector<16xf32>
        %mul3A_121 = arith.mulf %mul3A_120, %max3A_103 : vector<16xf32>
        %mul3A_122 = arith.mulf %mul3A_121, %mul3A_118 : vector<16xf32>
        %mul3A_123 = arith.mulf %mul3A_122, %mul3A_118 : vector<16xf32>
        %sub3A_124 = arith.constant 1.500000e+00 : f32
        %sub3A_125 = vector.broadcast %sub3A_124 : f32 to vector<16xf32>
        %sub3A_126 = arith.subf %sub3A_125, %mul3A_123 : vector<16xf32>
        %mul3A_127 = arith.mulf %mul3A_118, %sub3A_126 : vector<16xf32>
        %mul3A_128 = arith.constant 5.000000e-01 : f32
        %mul3A_129 = vector.broadcast %mul3A_128 : f32 to vector<16xf32>
        %mul3A_130 = arith.mulf %mul3A_129, %max3A_103 : vector<16xf32>
        %mul3A_131 = arith.mulf %mul3A_130, %mul3A_127 : vector<16xf32>
        %mul3A_132 = arith.mulf %mul3A_131, %mul3A_127 : vector<16xf32>
        %sub3A_133 = arith.constant 1.500000e+00 : f32
        %sub3A_134 = vector.broadcast %sub3A_133 : f32 to vector<16xf32>
        %sub3A_135 = arith.subf %sub3A_134, %mul3A_132 : vector<16xf32>
        %mul3A_136 = arith.mulf %mul3A_127, %sub3A_135 : vector<16xf32>
        %max3A_137 = arith.constant 4.096000e-21 : f32
        %max3A_138 = vector.broadcast %max3A_137 : f32 to vector<16xf32>
        %max3A_139 = arith.maximumf %scan3A_100#1, %max3A_138 : vector<16xf32>
        %bitcast_convert_type3A_140 = tpu.bitcast %max3A_139 : vector<16xf32> -> vector<16xi32>
        %shift_right_arithmetic3A_141 = arith.constant 1 : i32
        %shift_right_arithmetic3A_142 = vector.broadcast %shift_right_arithmetic3A_141 : i32 to vector<16xi32>
        %shift_right_arithmetic3A_143 = arith.shrsi %bitcast_convert_type3A_140, %shift_right_arithmetic3A_142 : vector<16xi32>
        %sub3A_144 = arith.constant 1597463007 : i32
        %sub3A_145 = vector.broadcast %sub3A_144 : i32 to vector<16xi32>
        %sub3A_146 = arith.subi %sub3A_145, %shift_right_arithmetic3A_143 : vector<16xi32>
        %bitcast_convert_type3A_147 = tpu.bitcast %sub3A_146 : vector<16xi32> -> vector<16xf32>
        %mul3A_148 = arith.constant 5.000000e-01 : f32
        %mul3A_149 = vector.broadcast %mul3A_148 : f32 to vector<16xf32>
        %mul3A_150 = arith.mulf %mul3A_149, %max3A_139 : vector<16xf32>
        %mul3A_151 = arith.mulf %mul3A_150, %bitcast_convert_type3A_147 : vector<16xf32>
        %mul3A_152 = arith.mulf %mul3A_151, %bitcast_convert_type3A_147 : vector<16xf32>
        %sub3A_153 = arith.constant 1.500000e+00 : f32
        %sub3A_154 = vector.broadcast %sub3A_153 : f32 to vector<16xf32>
        %sub3A_155 = arith.subf %sub3A_154, %mul3A_152 : vector<16xf32>
        %mul3A_156 = arith.mulf %bitcast_convert_type3A_147, %sub3A_155 : vector<16xf32>
        %mul3A_157 = arith.constant 5.000000e-01 : f32
        %mul3A_158 = vector.broadcast %mul3A_157 : f32 to vector<16xf32>
        %mul3A_159 = arith.mulf %mul3A_158, %max3A_139 : vector<16xf32>
        %mul3A_160 = arith.mulf %mul3A_159, %mul3A_156 : vector<16xf32>
        %mul3A_161 = arith.mulf %mul3A_160, %mul3A_156 : vector<16xf32>
        %sub3A_162 = arith.constant 1.500000e+00 : f32
        %sub3A_163 = vector.broadcast %sub3A_162 : f32 to vector<16xf32>
        %sub3A_164 = arith.subf %sub3A_163, %mul3A_161 : vector<16xf32>
        %mul3A_165 = arith.mulf %mul3A_156, %sub3A_164 : vector<16xf32>
        %mul3A_166 = arith.constant 5.000000e-01 : f32
        %mul3A_167 = vector.broadcast %mul3A_166 : f32 to vector<16xf32>
        %mul3A_168 = arith.mulf %mul3A_167, %max3A_139 : vector<16xf32>
        %mul3A_169 = arith.mulf %mul3A_168, %mul3A_165 : vector<16xf32>
        %mul3A_170 = arith.mulf %mul3A_169, %mul3A_165 : vector<16xf32>
        %sub3A_171 = arith.constant 1.500000e+00 : f32
        %sub3A_172 = vector.broadcast %sub3A_171 : f32 to vector<16xf32>
        %sub3A_173 = arith.subf %sub3A_172, %mul3A_170 : vector<16xf32>
        %mul3A_174 = arith.mulf %mul3A_165, %sub3A_173 : vector<16xf32>
        %max3A_175 = arith.constant 4.096000e-21 : f32
        %max3A_176 = vector.broadcast %max3A_175 : f32 to vector<16xf32>
        %max3A_177 = arith.maximumf %scan3A_100#2, %max3A_176 : vector<16xf32>
        %bitcast_convert_type3A_178 = tpu.bitcast %max3A_177 : vector<16xf32> -> vector<16xi32>
        %shift_right_arithmetic3A_179 = arith.constant 1 : i32
        %shift_right_arithmetic3A_180 = vector.broadcast %shift_right_arithmetic3A_179 : i32 to vector<16xi32>
        %shift_right_arithmetic3A_181 = arith.shrsi %bitcast_convert_type3A_178, %shift_right_arithmetic3A_180 : vector<16xi32>
        %sub3A_182 = arith.constant 1597463007 : i32
        %sub3A_183 = vector.broadcast %sub3A_182 : i32 to vector<16xi32>
        %sub3A_184 = arith.subi %sub3A_183, %shift_right_arithmetic3A_181 : vector<16xi32>
        %bitcast_convert_type3A_185 = tpu.bitcast %sub3A_184 : vector<16xi32> -> vector<16xf32>
        %mul3A_186 = arith.constant 5.000000e-01 : f32
        %mul3A_187 = vector.broadcast %mul3A_186 : f32 to vector<16xf32>
        %mul3A_188 = arith.mulf %mul3A_187, %max3A_177 : vector<16xf32>
        %mul3A_189 = arith.mulf %mul3A_188, %bitcast_convert_type3A_185 : vector<16xf32>
        %mul3A_190 = arith.mulf %mul3A_189, %bitcast_convert_type3A_185 : vector<16xf32>
        %sub3A_191 = arith.constant 1.500000e+00 : f32
        %sub3A_192 = vector.broadcast %sub3A_191 : f32 to vector<16xf32>
        %sub3A_193 = arith.subf %sub3A_192, %mul3A_190 : vector<16xf32>
        %mul3A_194 = arith.mulf %bitcast_convert_type3A_185, %sub3A_193 : vector<16xf32>
        %mul3A_195 = arith.constant 5.000000e-01 : f32
        %mul3A_196 = vector.broadcast %mul3A_195 : f32 to vector<16xf32>
        %mul3A_197 = arith.mulf %mul3A_196, %max3A_177 : vector<16xf32>
        %mul3A_198 = arith.mulf %mul3A_197, %mul3A_194 : vector<16xf32>
        %mul3A_199 = arith.mulf %mul3A_198, %mul3A_194 : vector<16xf32>
        %sub3A_200 = arith.constant 1.500000e+00 : f32
        %sub3A_201 = vector.broadcast %sub3A_200 : f32 to vector<16xf32>
        %sub3A_202 = arith.subf %sub3A_201, %mul3A_199 : vector<16xf32>
        %mul3A_203 = arith.mulf %mul3A_194, %sub3A_202 : vector<16xf32>
        %mul3A_204 = arith.constant 5.000000e-01 : f32
        %mul3A_205 = vector.broadcast %mul3A_204 : f32 to vector<16xf32>
        %mul3A_206 = arith.mulf %mul3A_205, %max3A_177 : vector<16xf32>
        %mul3A_207 = arith.mulf %mul3A_206, %mul3A_203 : vector<16xf32>
        %mul3A_208 = arith.mulf %mul3A_207, %mul3A_203 : vector<16xf32>
        %sub3A_209 = arith.constant 1.500000e+00 : f32
        %sub3A_210 = vector.broadcast %sub3A_209 : f32 to vector<16xf32>
        %sub3A_211 = arith.subf %sub3A_210, %mul3A_208 : vector<16xf32>
        %mul3A_212 = arith.mulf %mul3A_203, %sub3A_211 : vector<16xf32>
        %max3A_213 = arith.constant 4.096000e-21 : f32
        %max3A_214 = vector.broadcast %max3A_213 : f32 to vector<16xf32>
        %max3A_215 = arith.maximumf %scan3A_100#3, %max3A_214 : vector<16xf32>
        %bitcast_convert_type3A_216 = tpu.bitcast %max3A_215 : vector<16xf32> -> vector<16xi32>
        %shift_right_arithmetic3A_217 = arith.constant 1 : i32
        %shift_right_arithmetic3A_218 = vector.broadcast %shift_right_arithmetic3A_217 : i32 to vector<16xi32>
        %shift_right_arithmetic3A_219 = arith.shrsi %bitcast_convert_type3A_216, %shift_right_arithmetic3A_218 : vector<16xi32>
        %sub3A_220 = arith.constant 1597463007 : i32
        %sub3A_221 = vector.broadcast %sub3A_220 : i32 to vector<16xi32>
        %sub3A_222 = arith.subi %sub3A_221, %shift_right_arithmetic3A_219 : vector<16xi32>
        %bitcast_convert_type3A_223 = tpu.bitcast %sub3A_222 : vector<16xi32> -> vector<16xf32>
        %mul3A_224 = arith.constant 5.000000e-01 : f32
        %mul3A_225 = vector.broadcast %mul3A_224 : f32 to vector<16xf32>
        %mul3A_226 = arith.mulf %mul3A_225, %max3A_215 : vector<16xf32>
        %mul3A_227 = arith.mulf %mul3A_226, %bitcast_convert_type3A_223 : vector<16xf32>
        %mul3A_228 = arith.mulf %mul3A_227, %bitcast_convert_type3A_223 : vector<16xf32>
        %sub3A_229 = arith.constant 1.500000e+00 : f32
        %sub3A_230 = vector.broadcast %sub3A_229 : f32 to vector<16xf32>
        %sub3A_231 = arith.subf %sub3A_230, %mul3A_228 : vector<16xf32>
        %mul3A_232 = arith.mulf %bitcast_convert_type3A_223, %sub3A_231 : vector<16xf32>
        %mul3A_233 = arith.constant 5.000000e-01 : f32
        %mul3A_234 = vector.broadcast %mul3A_233 : f32 to vector<16xf32>
        %mul3A_235 = arith.mulf %mul3A_234, %max3A_215 : vector<16xf32>
        %mul3A_236 = arith.mulf %mul3A_235, %mul3A_232 : vector<16xf32>
        %mul3A_237 = arith.mulf %mul3A_236, %mul3A_232 : vector<16xf32>
        %sub3A_238 = arith.constant 1.500000e+00 : f32
        %sub3A_239 = vector.broadcast %sub3A_238 : f32 to vector<16xf32>
        %sub3A_240 = arith.subf %sub3A_239, %mul3A_237 : vector<16xf32>
        %mul3A_241 = arith.mulf %mul3A_232, %sub3A_240 : vector<16xf32>
        %mul3A_242 = arith.constant 5.000000e-01 : f32
        %mul3A_243 = vector.broadcast %mul3A_242 : f32 to vector<16xf32>
        %mul3A_244 = arith.mulf %mul3A_243, %max3A_215 : vector<16xf32>
        %mul3A_245 = arith.mulf %mul3A_244, %mul3A_241 : vector<16xf32>
        %mul3A_246 = arith.mulf %mul3A_245, %mul3A_241 : vector<16xf32>
        %sub3A_247 = arith.constant 1.500000e+00 : f32
        %sub3A_248 = vector.broadcast %sub3A_247 : f32 to vector<16xf32>
        %sub3A_249 = arith.subf %sub3A_248, %mul3A_246 : vector<16xf32>
        %mul3A_250 = arith.mulf %mul3A_241, %sub3A_249 : vector<16xf32>
        %scan3A_251 = arith.constant 0 : i32
        %scan3A_252 = arith.constant 0 : i32
        %scan3A_253 = arith.constant 9 : i32
        %scan3A_254 = arith.addi %scan3A_252, %scan3A_253 : i32
        %scan3A_255 = arith.constant 1 : i32
        scf.for %scan3A_257 = %scan3A_252 to %scan3A_254 step %scan3A_255  : i32 {
          %mul3A_258 = arith.constant 512 : i32
          %mul3A_259 = arith.muli %scan3A_257, %mul3A_258 : i32
          %add3A_260 = arith.constant 448 : i32
          %add3A_261 = arith.addi %mul3A_259, %add3A_260 : i32
          %add3A_262 = arith.constant 0 : i32
          %add3A_263 = arith.addi %add3A_261, %add3A_262 : i32
          %get3A = arith.index_cast %add3A_263 : i32 to index
          %get3A_264 = tpu.vector_load %arg8[%get3A] {strides = array<i32>} : memref<4608xf32, #tpu.memory_space<vmem>>, vector<16xf32>,
          %mul3A_265 = arith.mulf %get3A_264, %mul3A_136 : vector<16xf32>
          %mul3A_266 = arith.constant 512 : i32
          %mul3A_267 = arith.muli %scan3A_257, %mul3A_266 : i32
          %mul3A_268 = arith.constant 64 : i32
          %mul3A_269 = arith.muli %scan3A_86, %mul3A_268 : i32
          %add3A_270 = arith.addi %mul3A_267, %mul3A_269 : i32
          %add3A_271 = arith.constant 0 : i32
          %add3A_272 = arith.addi %add3A_270, %add3A_271 : i32
          %swap3A = arith.index_cast %add3A_272 : i32 to index
          %swap3A_273 = tpu.vector_load %arg8[%swap3A] {strides = array<i32>} : memref<4608xf32, #tpu.memory_space<vmem>>, vector<16xf32>,
          tpu.vector_store %arg8[%swap3A], %mul3A_265 {strides = array<i32>} : memref<4608xf32, #tpu.memory_space<vmem>>, vector<16xf32>,
          %mul3A_274 = arith.constant 512 : i32
          %mul3A_275 = arith.muli %scan3A_257, %mul3A_274 : i32
          %add3A_276 = arith.constant 448 : i32
          %add3A_277 = arith.addi %mul3A_275, %add3A_276 : i32
          %add3A_278 = arith.constant 16 : i32
          %add3A_279 = arith.addi %add3A_277, %add3A_278 : i32
          %get3A_280 = arith.index_cast %add3A_279 : i32 to index
          %get3A_281 = tpu.vector_load %arg8[%get3A_280] {strides = array<i32>} : memref<4608xf32, #tpu.memory_space<vmem>>, vector<16xf32>,
          %mul3A_282 = arith.mulf %get3A_281, %mul3A_174 : vector<16xf32>
          %mul3A_283 = arith.constant 512 : i32
          %mul3A_284 = arith.muli %scan3A_257, %mul3A_283 : i32
          %mul3A_285 = arith.constant 64 : i32
          %mul3A_286 = arith.muli %scan3A_86, %mul3A_285 : i32
          %add3A_287 = arith.addi %mul3A_284, %mul3A_286 : i32
          %add3A_288 = arith.constant 16 : i32
          %add3A_289 = arith.addi %add3A_287, %add3A_288 : i32
          %swap3A_290 = arith.index_cast %add3A_289 : i32 to index
          %swap3A_291 = tpu.vector_load %arg8[%swap3A_290] {strides = array<i32>} : memref<4608xf32, #tpu.memory_space<vmem>>, vector<16xf32>,
          tpu.vector_store %arg8[%swap3A_290], %mul3A_282 {strides = array<i32>} : memref<4608xf32, #tpu.memory_space<vmem>>, vector<16xf32>,
          %mul3A_292 = arith.constant 512 : i32
          %mul3A_293 = arith.muli %scan3A_257, %mul3A_292 : i32
          %add3A_294 = arith.constant 448 : i32
          %add3A_295 = arith.addi %mul3A_293, %add3A_294 : i32
          %add3A_296 = arith.constant 32 : i32
          %add3A_297 = arith.addi %add3A_295, %add3A_296 : i32
          %get3A_298 = arith.index_cast %add3A_297 : i32 to index
          %get3A_299 = tpu.vector_load %arg8[%get3A_298] {strides = array<i32>} : memref<4608xf32, #tpu.memory_space<vmem>>, vector<16xf32>,
          %mul3A_300 = arith.mulf %get3A_299, %mul3A_212 : vector<16xf32>
          %mul3A_301 = arith.constant 512 : i32
          %mul3A_302 = arith.muli %scan3A_257, %mul3A_301 : i32
          %mul3A_303 = arith.constant 64 : i32
          %mul3A_304 = arith.muli %scan3A_86, %mul3A_303 : i32
          %add3A_305 = arith.addi %mul3A_302, %mul3A_304 : i32
          %add3A_306 = arith.constant 32 : i32
          %add3A_307 = arith.addi %add3A_305, %add3A_306 : i32
          %swap3A_308 = arith.index_cast %add3A_307 : i32 to index
          %swap3A_309 = tpu.vector_load %arg8[%swap3A_308] {strides = array<i32>} : memref<4608xf32, #tpu.memory_space<vmem>>, vector<16xf32>,
          tpu.vector_store %arg8[%swap3A_308], %mul3A_300 {strides = array<i32>} : memref<4608xf32, #tpu.memory_space<vmem>>, vector<16xf32>,
          %mul3A_310 = arith.constant 512 : i32
          %mul3A_311 = arith.muli %scan3A_257, %mul3A_310 : i32
          %add3A_312 = arith.constant 448 : i32
          %add3A_313 = arith.addi %mul3A_311, %add3A_312 : i32
          %add3A_314 = arith.constant 48 : i32
          %add3A_315 = arith.addi %add3A_313, %add3A_314 : i32
          %get3A_316 = arith.index_cast %add3A_315 : i32 to index
          %get3A_317 = tpu.vector_load %arg8[%get3A_316] {strides = array<i32>} : memref<4608xf32, #tpu.memory_space<vmem>>, vector<16xf32>,
          %mul3A_318 = arith.mulf %get3A_317, %mul3A_250 : vector<16xf32>
          %mul3A_319 = arith.constant 512 : i32
          %mul3A_320 = arith.muli %scan3A_257, %mul3A_319 : i32
          %mul3A_321 = arith.constant 64 : i32
          %mul3A_322 = arith.muli %scan3A_86, %mul3A_321 : i32
          %add3A_323 = arith.addi %mul3A_320, %mul3A_322 : i32
          %add3A_324 = arith.constant 48 : i32
          %add3A_325 = arith.addi %add3A_323, %add3A_324 : i32
          %swap3A_326 = arith.index_cast %add3A_325 : i32 to index
          %swap3A_327 = tpu.vector_load %arg8[%swap3A_326] {strides = array<i32>} : memref<4608xf32, #tpu.memory_space<vmem>>, vector<16xf32>,
          tpu.vector_store %arg8[%swap3A_326], %mul3A_318 {strides = array<i32>} : memref<4608xf32, #tpu.memory_space<vmem>>, vector<16xf32>,
        }
        %scan3A_256 = arith.constant 9 : i32
      }
      %scan3A_62 = arith.constant 8 : i32
      %mul3A_63 = arith.constant 36864 : i32
      %mul3A_64 = arith.muli %select_n3A, %mul3A_63 : i32
      %mul3A_65 = arith.constant 512 : i32
      %mul3A_66 = arith.muli %sub3A_30, %mul3A_65 : i32
      %add3A_67 = arith.addi %mul3A_64, %mul3A_66 : i32
      %add3A_68 = arith.constant 0 : i32
      %add3A_69 = arith.addi %add3A_67, %add3A_68 : i32
      "tpu.region"() ({
        %run_scoped3A = tpu.sem_alloc : memref<!tpu.dma_semaphore, #tpu.memory_space<semaphore_mem>>
        %dma_start3A = arith.constant 0 : i32
        %dma_start3A_86 = tpu.memref_slice %arg8[%dma_start3A] : memref<4608xf32, #tpu.memory_space<vmem>> -> memref<512xf32, #tpu.memory_space<vmem>>
        %dma_start3A_87 = tpu.memref_slice %arg3[%add3A_69] : memref<147456xf32, #tpu.memory_space<hbm>> -> memref<512xf32, #tpu.memory_space<hbm>>
        %dma_start3A_88 = tpu.memref_slice %arg3[%add3A_69] : memref<147456xf32, #tpu.memory_space<hbm>> -> memref<512xf32, #tpu.memory_space<hbm>>
        %dma_start3A_89 = arith.constant 0 : i32
        %dma_start3A_90 = tpu.memref_slice %arg8[%dma_start3A_89] : memref<4608xf32, #tpu.memory_space<vmem>> -> memref<512xf32, #tpu.memory_space<vmem>>
        tpu.enqueue_dma source(%dma_start3A_90 : memref<512xf32, #tpu.memory_space<vmem>>) target(%dma_start3A_88 : memref<512xf32, #tpu.memory_space<hbm>>) target_semaphore(%run_scoped3A : memref<!tpu.dma_semaphore, #tpu.memory_space<semaphore_mem>>)
        %dma_wait3A = arith.constant 0 : i32
        %dma_wait3A_91 = tpu.memref_slice %arg8[%dma_wait3A] : memref<4608xf32, #tpu.memory_space<vmem>> -> memref<512xf32, #tpu.memory_space<vmem>>
        %dma_wait3A_92 = tpu.memref_slice %arg3[%add3A_69] : memref<147456xf32, #tpu.memory_space<hbm>> -> memref<512xf32, #tpu.memory_space<hbm>>
        %dma_wait3A_93 = tpu.memref_slice %arg3[%add3A_69] : memref<147456xf32, #tpu.memory_space<hbm>> -> memref<512xf32, #tpu.memory_space<hbm>>
        %dma_wait3A_94 = arith.constant 0 : i32
        %dma_wait3A_95 = tpu.memref_slice %arg8[%dma_wait3A_94] : memref<4608xf32, #tpu.memory_space<vmem>> -> memref<512xf32, #tpu.memory_space<vmem>>
        tpu.wait_dma2 semaphore(%run_scoped3A : memref<!tpu.dma_semaphore, #tpu.memory_space<semaphore_mem>>) src(%dma_wait3A_95 : memref<512xf32, #tpu.memory_space<vmem>>) dst(%dma_wait3A_93 : memref<512xf32, #tpu.memory_space<hbm>>)
        tpu.yield
      }) : () -> ()
      %add3A_70 = arith.constant 4096 : i32
      %add3A_71 = arith.addi %add3A_67, %add3A_70 : i32
      "tpu.region"() ({
        %run_scoped3A = tpu.sem_alloc : memref<!tpu.dma_semaphore, #tpu.memory_space<semaphore_mem>>
        %dma_start3A = arith.constant 512 : i32
        %dma_start3A_86 = tpu.memref_slice %arg8[%dma_start3A] : memref<4608xf32, #tpu.memory_space<vmem>> -> memref<512xf32, #tpu.memory_space<vmem>>
        %dma_start3A_87 = tpu.memref_slice %arg3[%add3A_71] : memref<147456xf32, #tpu.memory_space<hbm>> -> memref<512xf32, #tpu.memory_space<hbm>>
        %dma_start3A_88 = tpu.memref_slice %arg3[%add3A_71] : memref<147456xf32, #tpu.memory_space<hbm>> -> memref<512xf32, #tpu.memory_space<hbm>>
        %dma_start3A_89 = arith.constant 512 : i32
        %dma_start3A_90 = tpu.memref_slice %arg8[%dma_start3A_89] : memref<4608xf32, #tpu.memory_space<vmem>> -> memref<512xf32, #tpu.memory_space<vmem>>
        tpu.enqueue_dma source(%dma_start3A_90 : memref<512xf32, #tpu.memory_space<vmem>>) target(%dma_start3A_88 : memref<512xf32, #tpu.memory_space<hbm>>) target_semaphore(%run_scoped3A : memref<!tpu.dma_semaphore, #tpu.memory_space<semaphore_mem>>)
        %dma_wait3A = arith.constant 512 : i32
        %dma_wait3A_91 = tpu.memref_slice %arg8[%dma_wait3A] : memref<4608xf32, #tpu.memory_space<vmem>> -> memref<512xf32, #tpu.memory_space<vmem>>
        %dma_wait3A_92 = tpu.memref_slice %arg3[%add3A_71] : memref<147456xf32, #tpu.memory_space<hbm>> -> memref<512xf32, #tpu.memory_space<hbm>>
        %dma_wait3A_93 = tpu.memref_slice %arg3[%add3A_71] : memref<147456xf32, #tpu.memory_space<hbm>> -> memref<512xf32, #tpu.memory_space<hbm>>
        %dma_wait3A_94 = arith.constant 512 : i32
        %dma_wait3A_95 = tpu.memref_slice %arg8[%dma_wait3A_94] : memref<4608xf32, #tpu.memory_space<vmem>> -> memref<512xf32, #tpu.memory_space<vmem>>
        tpu.wait_dma2 semaphore(%run_scoped3A : memref<!tpu.dma_semaphore, #tpu.memory_space<semaphore_mem>>) src(%dma_wait3A_95 : memref<512xf32, #tpu.memory_space<vmem>>) dst(%dma_wait3A_93 : memref<512xf32, #tpu.memory_space<hbm>>)
        tpu.yield
      }) : () -> ()
      %add3A_72 = arith.constant 8192 : i32
      %add3A_73 = arith.addi %add3A_67, %add3A_72 : i32
      "tpu.region"() ({
        %run_scoped3A = tpu.sem_alloc : memref<!tpu.dma_semaphore, #tpu.memory_space<semaphore_mem>>
        %dma_start3A = arith.constant 1024 : i32
        %dma_start3A_86 = tpu.memref_slice %arg8[%dma_start3A] : memref<4608xf32, #tpu.memory_space<vmem>> -> memref<512xf32, #tpu.memory_space<vmem>>
        %dma_start3A_87 = tpu.memref_slice %arg3[%add3A_73] : memref<147456xf32, #tpu.memory_space<hbm>> -> memref<512xf32, #tpu.memory_space<hbm>>
        %dma_start3A_88 = tpu.memref_slice %arg3[%add3A_73] : memref<147456xf32, #tpu.memory_space<hbm>> -> memref<512xf32, #tpu.memory_space<hbm>>
        %dma_start3A_89 = arith.constant 1024 : i32
        %dma_start3A_90 = tpu.memref_slice %arg8[%dma_start3A_89] : memref<4608xf32, #tpu.memory_space<vmem>> -> memref<512xf32, #tpu.memory_space<vmem>>
        tpu.enqueue_dma source(%dma_start3A_90 : memref<512xf32, #tpu.memory_space<vmem>>) target(%dma_start3A_88 : memref<512xf32, #tpu.memory_space<hbm>>) target_semaphore(%run_scoped3A : memref<!tpu.dma_semaphore, #tpu.memory_space<semaphore_mem>>)
        %dma_wait3A = arith.constant 1024 : i32
        %dma_wait3A_91 = tpu.memref_slice %arg8[%dma_wait3A] : memref<4608xf32, #tpu.memory_space<vmem>> -> memref<512xf32, #tpu.memory_space<vmem>>
        %dma_wait3A_92 = tpu.memref_slice %arg3[%add3A_73] : memref<147456xf32, #tpu.memory_space<hbm>> -> memref<512xf32, #tpu.memory_space<hbm>>
        %dma_wait3A_93 = tpu.memref_slice %arg3[%add3A_73] : memref<147456xf32, #tpu.memory_space<hbm>> -> memref<512xf32, #tpu.memory_space<hbm>>
        %dma_wait3A_94 = arith.constant 1024 : i32
        %dma_wait3A_95 = tpu.memref_slice %arg8[%dma_wait3A_94] : memref<4608xf32, #tpu.memory_space<vmem>> -> memref<512xf32, #tpu.memory_space<vmem>>
        tpu.wait_dma2 semaphore(%run_scoped3A : memref<!tpu.dma_semaphore, #tpu.memory_space<semaphore_mem>>) src(%dma_wait3A_95 : memref<512xf32, #tpu.memory_space<vmem>>) dst(%dma_wait3A_93 : memref<512xf32, #tpu.memory_space<hbm>>)
        tpu.yield
      }) : () -> ()
      %add3A_74 = arith.constant 12288 : i32
      %add3A_75 = arith.addi %add3A_67, %add3A_74 : i32
      "tpu.region"() ({
        %run_scoped3A = tpu.sem_alloc : memref<!tpu.dma_semaphore, #tpu.memory_space<semaphore_mem>>
        %dma_start3A = arith.constant 1536 : i32
        %dma_start3A_86 = tpu.memref_slice %arg8[%dma_start3A] : memref<4608xf32, #tpu.memory_space<vmem>> -> memref<512xf32, #tpu.memory_space<vmem>>
        %dma_start3A_87 = tpu.memref_slice %arg3[%add3A_75] : memref<147456xf32, #tpu.memory_space<hbm>> -> memref<512xf32, #tpu.memory_space<hbm>>
        %dma_start3A_88 = tpu.memref_slice %arg3[%add3A_75] : memref<147456xf32, #tpu.memory_space<hbm>> -> memref<512xf32, #tpu.memory_space<hbm>>
        %dma_start3A_89 = arith.constant 1536 : i32
        %dma_start3A_90 = tpu.memref_slice %arg8[%dma_start3A_89] : memref<4608xf32, #tpu.memory_space<vmem>> -> memref<512xf32, #tpu.memory_space<vmem>>
        tpu.enqueue_dma source(%dma_start3A_90 : memref<512xf32, #tpu.memory_space<vmem>>) target(%dma_start3A_88 : memref<512xf32, #tpu.memory_space<hbm>>) target_semaphore(%run_scoped3A : memref<!tpu.dma_semaphore, #tpu.memory_space<semaphore_mem>>)
        %dma_wait3A = arith.constant 1536 : i32
        %dma_wait3A_91 = tpu.memref_slice %arg8[%dma_wait3A] : memref<4608xf32, #tpu.memory_space<vmem>> -> memref<512xf32, #tpu.memory_space<vmem>>
        %dma_wait3A_92 = tpu.memref_slice %arg3[%add3A_75] : memref<147456xf32, #tpu.memory_space<hbm>> -> memref<512xf32, #tpu.memory_space<hbm>>
        %dma_wait3A_93 = tpu.memref_slice %arg3[%add3A_75] : memref<147456xf32, #tpu.memory_space<hbm>> -> memref<512xf32, #tpu.memory_space<hbm>>
        %dma_wait3A_94 = arith.constant 1536 : i32
        %dma_wait3A_95 = tpu.memref_slice %arg8[%dma_wait3A_94] : memref<4608xf32, #tpu.memory_space<vmem>> -> memref<512xf32, #tpu.memory_space<vmem>>
        tpu.wait_dma2 semaphore(%run_scoped3A : memref<!tpu.dma_semaphore, #tpu.memory_space<semaphore_mem>>) src(%dma_wait3A_95 : memref<512xf32, #tpu.memory_space<vmem>>) dst(%dma_wait3A_93 : memref<512xf32, #tpu.memory_space<hbm>>)
        tpu.yield
      }) : () -> ()
      %add3A_76 = arith.constant 16384 : i32
      %add3A_77 = arith.addi %add3A_67, %add3A_76 : i32
      "tpu.region"() ({
        %run_scoped3A = tpu.sem_alloc : memref<!tpu.dma_semaphore, #tpu.memory_space<semaphore_mem>>
        %dma_start3A = arith.constant 2048 : i32
        %dma_start3A_86 = tpu.memref_slice %arg8[%dma_start3A] : memref<4608xf32, #tpu.memory_space<vmem>> -> memref<512xf32, #tpu.memory_space<vmem>>
        %dma_start3A_87 = tpu.memref_slice %arg3[%add3A_77] : memref<147456xf32, #tpu.memory_space<hbm>> -> memref<512xf32, #tpu.memory_space<hbm>>
        %dma_start3A_88 = tpu.memref_slice %arg3[%add3A_77] : memref<147456xf32, #tpu.memory_space<hbm>> -> memref<512xf32, #tpu.memory_space<hbm>>
        %dma_start3A_89 = arith.constant 2048 : i32
        %dma_start3A_90 = tpu.memref_slice %arg8[%dma_start3A_89] : memref<4608xf32, #tpu.memory_space<vmem>> -> memref<512xf32, #tpu.memory_space<vmem>>
        tpu.enqueue_dma source(%dma_start3A_90 : memref<512xf32, #tpu.memory_space<vmem>>) target(%dma_start3A_88 : memref<512xf32, #tpu.memory_space<hbm>>) target_semaphore(%run_scoped3A : memref<!tpu.dma_semaphore, #tpu.memory_space<semaphore_mem>>)
        %dma_wait3A = arith.constant 2048 : i32
        %dma_wait3A_91 = tpu.memref_slice %arg8[%dma_wait3A] : memref<4608xf32, #tpu.memory_space<vmem>> -> memref<512xf32, #tpu.memory_space<vmem>>
        %dma_wait3A_92 = tpu.memref_slice %arg3[%add3A_77] : memref<147456xf32, #tpu.memory_space<hbm>> -> memref<512xf32, #tpu.memory_space<hbm>>
        %dma_wait3A_93 = tpu.memref_slice %arg3[%add3A_77] : memref<147456xf32, #tpu.memory_space<hbm>> -> memref<512xf32, #tpu.memory_space<hbm>>
        %dma_wait3A_94 = arith.constant 2048 : i32
        %dma_wait3A_95 = tpu.memref_slice %arg8[%dma_wait3A_94] : memref<4608xf32, #tpu.memory_space<vmem>> -> memref<512xf32, #tpu.memory_space<vmem>>
        tpu.wait_dma2 semaphore(%run_scoped3A : memref<!tpu.dma_semaphore, #tpu.memory_space<semaphore_mem>>) src(%dma_wait3A_95 : memref<512xf32, #tpu.memory_space<vmem>>) dst(%dma_wait3A_93 : memref<512xf32, #tpu.memory_space<hbm>>)
        tpu.yield
      }) : () -> ()
      %add3A_78 = arith.constant 20480 : i32
      %add3A_79 = arith.addi %add3A_67, %add3A_78 : i32
      "tpu.region"() ({
        %run_scoped3A = tpu.sem_alloc : memref<!tpu.dma_semaphore, #tpu.memory_space<semaphore_mem>>
        %dma_start3A = arith.constant 2560 : i32
        %dma_start3A_86 = tpu.memref_slice %arg8[%dma_start3A] : memref<4608xf32, #tpu.memory_space<vmem>> -> memref<512xf32, #tpu.memory_space<vmem>>
        %dma_start3A_87 = tpu.memref_slice %arg3[%add3A_79] : memref<147456xf32, #tpu.memory_space<hbm>> -> memref<512xf32, #tpu.memory_space<hbm>>
        %dma_start3A_88 = tpu.memref_slice %arg3[%add3A_79] : memref<147456xf32, #tpu.memory_space<hbm>> -> memref<512xf32, #tpu.memory_space<hbm>>
        %dma_start3A_89 = arith.constant 2560 : i32
        %dma_start3A_90 = tpu.memref_slice %arg8[%dma_start3A_89] : memref<4608xf32, #tpu.memory_space<vmem>> -> memref<512xf32, #tpu.memory_space<vmem>>
        tpu.enqueue_dma source(%dma_start3A_90 : memref<512xf32, #tpu.memory_space<vmem>>) target(%dma_start3A_88 : memref<512xf32, #tpu.memory_space<hbm>>) target_semaphore(%run_scoped3A : memref<!tpu.dma_semaphore, #tpu.memory_space<semaphore_mem>>)
        %dma_wait3A = arith.constant 2560 : i32
        %dma_wait3A_91 = tpu.memref_slice %arg8[%dma_wait3A] : memref<4608xf32, #tpu.memory_space<vmem>> -> memref<512xf32, #tpu.memory_space<vmem>>
        %dma_wait3A_92 = tpu.memref_slice %arg3[%add3A_79] : memref<147456xf32, #tpu.memory_space<hbm>> -> memref<512xf32, #tpu.memory_space<hbm>>
        %dma_wait3A_93 = tpu.memref_slice %arg3[%add3A_79] : memref<147456xf32, #tpu.memory_space<hbm>> -> memref<512xf32, #tpu.memory_space<hbm>>
        %dma_wait3A_94 = arith.constant 2560 : i32
        %dma_wait3A_95 = tpu.memref_slice %arg8[%dma_wait3A_94] : memref<4608xf32, #tpu.memory_space<vmem>> -> memref<512xf32, #tpu.memory_space<vmem>>
        tpu.wait_dma2 semaphore(%run_scoped3A : memref<!tpu.dma_semaphore, #tpu.memory_space<semaphore_mem>>) src(%dma_wait3A_95 : memref<512xf32, #tpu.memory_space<vmem>>) dst(%dma_wait3A_93 : memref<512xf32, #tpu.memory_space<hbm>>)
        tpu.yield
      }) : () -> ()
      %add3A_80 = arith.constant 24576 : i32
      %add3A_81 = arith.addi %add3A_67, %add3A_80 : i32
      "tpu.region"() ({
        %run_scoped3A = tpu.sem_alloc : memref<!tpu.dma_semaphore, #tpu.memory_space<semaphore_mem>>
        %dma_start3A = arith.constant 3072 : i32
        %dma_start3A_86 = tpu.memref_slice %arg8[%dma_start3A] : memref<4608xf32, #tpu.memory_space<vmem>> -> memref<512xf32, #tpu.memory_space<vmem>>
        %dma_start3A_87 = tpu.memref_slice %arg3[%add3A_81] : memref<147456xf32, #tpu.memory_space<hbm>> -> memref<512xf32, #tpu.memory_space<hbm>>
        %dma_start3A_88 = tpu.memref_slice %arg3[%add3A_81] : memref<147456xf32, #tpu.memory_space<hbm>> -> memref<512xf32, #tpu.memory_space<hbm>>
        %dma_start3A_89 = arith.constant 3072 : i32
        %dma_start3A_90 = tpu.memref_slice %arg8[%dma_start3A_89] : memref<4608xf32, #tpu.memory_space<vmem>> -> memref<512xf32, #tpu.memory_space<vmem>>
        tpu.enqueue_dma source(%dma_start3A_90 : memref<512xf32, #tpu.memory_space<vmem>>) target(%dma_start3A_88 : memref<512xf32, #tpu.memory_space<hbm>>) target_semaphore(%run_scoped3A : memref<!tpu.dma_semaphore, #tpu.memory_space<semaphore_mem>>)
        %dma_wait3A = arith.constant 3072 : i32
        %dma_wait3A_91 = tpu.memref_slice %arg8[%dma_wait3A] : memref<4608xf32, #tpu.memory_space<vmem>> -> memref<512xf32, #tpu.memory_space<vmem>>
        %dma_wait3A_92 = tpu.memref_slice %arg3[%add3A_81] : memref<147456xf32, #tpu.memory_space<hbm>> -> memref<512xf32, #tpu.memory_space<hbm>>
        %dma_wait3A_93 = tpu.memref_slice %arg3[%add3A_81] : memref<147456xf32, #tpu.memory_space<hbm>> -> memref<512xf32, #tpu.memory_space<hbm>>
        %dma_wait3A_94 = arith.constant 3072 : i32
        %dma_wait3A_95 = tpu.memref_slice %arg8[%dma_wait3A_94] : memref<4608xf32, #tpu.memory_space<vmem>> -> memref<512xf32, #tpu.memory_space<vmem>>
        tpu.wait_dma2 semaphore(%run_scoped3A : memref<!tpu.dma_semaphore, #tpu.memory_space<semaphore_mem>>) src(%dma_wait3A_95 : memref<512xf32, #tpu.memory_space<vmem>>) dst(%dma_wait3A_93 : memref<512xf32, #tpu.memory_space<hbm>>)
        tpu.yield
      }) : () -> ()
      %add3A_82 = arith.constant 28672 : i32
      %add3A_83 = arith.addi %add3A_67, %add3A_82 : i32
      "tpu.region"() ({
        %run_scoped3A = tpu.sem_alloc : memref<!tpu.dma_semaphore, #tpu.memory_space<semaphore_mem>>
        %dma_start3A = arith.constant 3584 : i32
        %dma_start3A_86 = tpu.memref_slice %arg8[%dma_start3A] : memref<4608xf32, #tpu.memory_space<vmem>> -> memref<512xf32, #tpu.memory_space<vmem>>
        %dma_start3A_87 = tpu.memref_slice %arg3[%add3A_83] : memref<147456xf32, #tpu.memory_space<hbm>> -> memref<512xf32, #tpu.memory_space<hbm>>
        %dma_start3A_88 = tpu.memref_slice %arg3[%add3A_83] : memref<147456xf32, #tpu.memory_space<hbm>> -> memref<512xf32, #tpu.memory_space<hbm>>
        %dma_start3A_89 = arith.constant 3584 : i32
        %dma_start3A_90 = tpu.memref_slice %arg8[%dma_start3A_89] : memref<4608xf32, #tpu.memory_space<vmem>> -> memref<512xf32, #tpu.memory_space<vmem>>
        tpu.enqueue_dma source(%dma_start3A_90 : memref<512xf32, #tpu.memory_space<vmem>>) target(%dma_start3A_88 : memref<512xf32, #tpu.memory_space<hbm>>) target_semaphore(%run_scoped3A : memref<!tpu.dma_semaphore, #tpu.memory_space<semaphore_mem>>)
        %dma_wait3A = arith.constant 3584 : i32
        %dma_wait3A_91 = tpu.memref_slice %arg8[%dma_wait3A] : memref<4608xf32, #tpu.memory_space<vmem>> -> memref<512xf32, #tpu.memory_space<vmem>>
        %dma_wait3A_92 = tpu.memref_slice %arg3[%add3A_83] : memref<147456xf32, #tpu.memory_space<hbm>> -> memref<512xf32, #tpu.memory_space<hbm>>
        %dma_wait3A_93 = tpu.memref_slice %arg3[%add3A_83] : memref<147456xf32, #tpu.memory_space<hbm>> -> memref<512xf32, #tpu.memory_space<hbm>>
        %dma_wait3A_94 = arith.constant 3584 : i32
        %dma_wait3A_95 = tpu.memref_slice %arg8[%dma_wait3A_94] : memref<4608xf32, #tpu.memory_space<vmem>> -> memref<512xf32, #tpu.memory_space<vmem>>
        tpu.wait_dma2 semaphore(%run_scoped3A : memref<!tpu.dma_semaphore, #tpu.memory_space<semaphore_mem>>) src(%dma_wait3A_95 : memref<512xf32, #tpu.memory_space<vmem>>) dst(%dma_wait3A_93 : memref<512xf32, #tpu.memory_space<hbm>>)
        tpu.yield
      }) : () -> ()
      %add3A_84 = arith.constant 32768 : i32
      %add3A_85 = arith.addi %add3A_67, %add3A_84 : i32
      "tpu.region"() ({
        %run_scoped3A = tpu.sem_alloc : memref<!tpu.dma_semaphore, #tpu.memory_space<semaphore_mem>>
        %dma_start3A = arith.constant 4096 : i32
        %dma_start3A_86 = tpu.memref_slice %arg8[%dma_start3A] : memref<4608xf32, #tpu.memory_space<vmem>> -> memref<512xf32, #tpu.memory_space<vmem>>
        %dma_start3A_87 = tpu.memref_slice %arg3[%add3A_85] : memref<147456xf32, #tpu.memory_space<hbm>> -> memref<512xf32, #tpu.memory_space<hbm>>
        %dma_start3A_88 = tpu.memref_slice %arg3[%add3A_85] : memref<147456xf32, #tpu.memory_space<hbm>> -> memref<512xf32, #tpu.memory_space<hbm>>
        %dma_start3A_89 = arith.constant 4096 : i32
        %dma_start3A_90 = tpu.memref_slice %arg8[%dma_start3A_89] : memref<4608xf32, #tpu.memory_space<vmem>> -> memref<512xf32, #tpu.memory_space<vmem>>
        tpu.enqueue_dma source(%dma_start3A_90 : memref<512xf32, #tpu.memory_space<vmem>>) target(%dma_start3A_88 : memref<512xf32, #tpu.memory_space<hbm>>) target_semaphore(%run_scoped3A : memref<!tpu.dma_semaphore, #tpu.memory_space<semaphore_mem>>)
        %dma_wait3A = arith.constant 4096 : i32
        %dma_wait3A_91 = tpu.memref_slice %arg8[%dma_wait3A] : memref<4608xf32, #tpu.memory_space<vmem>> -> memref<512xf32, #tpu.memory_space<vmem>>
        %dma_wait3A_92 = tpu.memref_slice %arg3[%add3A_85] : memref<147456xf32, #tpu.memory_space<hbm>> -> memref<512xf32, #tpu.memory_space<hbm>>
        %dma_wait3A_93 = tpu.memref_slice %arg3[%add3A_85] : memref<147456xf32, #tpu.memory_space<hbm>> -> memref<512xf32, #tpu.memory_space<hbm>>
        %dma_wait3A_94 = arith.constant 4096 : i32
        %dma_wait3A_95 = tpu.memref_slice %arg8[%dma_wait3A_94] : memref<4608xf32, #tpu.memory_space<vmem>> -> memref<512xf32, #tpu.memory_space<vmem>>
        tpu.wait_dma2 semaphore(%run_scoped3A : memref<!tpu.dma_semaphore, #tpu.memory_space<semaphore_mem>>) src(%dma_wait3A_95 : memref<512xf32, #tpu.memory_space<vmem>>) dst(%dma_wait3A_93 : memref<512xf32, #tpu.memory_space<hbm>>)
        tpu.yield
      }) : () -> ()
    } else {
    }
    %scan3A_11 = arith.constant 1 : i32
    return
  }
}

module attributes {stable_mosaic.version = 14 : i64} {
  func.func @_tc_body(%arg0: i32, %arg1: memref<1x1x512x512xf32, #tpu.memory_space<vmem>>, %arg2: memref<1x9x64x64xf32, #tpu.memory_space<vmem>>) attributes {dimension_semantics = [#tpu.dimension_semantics<arbitrary>], iteration_bounds = array<i64: 28>, scalar_prefetch = 0 : i64, scratch_operands = 0 : i64, tpu.core_type = #tpu.core_type<tc>, window_params = [{transform_indices = @transform_0, window_bounds = array<i64: 1, 1, 512, 512>}, {transform_indices = @transform_1, window_bounds = array<i64: 1, 9, 64, 64>}]} {
    %get3A = arith.constant 0 : index
    %get3A_0 = arith.constant 0 : index
    %get3A_1 = arith.constant 0 : index
    %get3A_2 = arith.constant 0 : index
    %get3A_3 = vector.load %arg1[%get3A, %get3A_0, %get3A_1, %get3A_2] : memref<1x1x512x512xf32, #tpu.memory_space<vmem>>, vector<1x1x512x512xf32>
    %get3A_4 = vector.shape_cast %get3A_3 : vector<1x1x512x512xf32> to vector<512x512xf32>
    %convert_element_type3A = arith.truncf %get3A_4 : vector<512x512xf32> to vector<512x512xbf16>
    %convert_element_type3A_5 = arith.extf %convert_element_type3A : vector<512x512xbf16> to vector<512x512xf32>
    %slice3A = vector.extract_strided_slice %convert_element_type3A_5 {offsets = [1, 0], sizes = [1, 512], strides = [1, 1]} : vector<512x512xf32> to vector<1x512xf32>
    %slice3A_6 = vector.extract_strided_slice %convert_element_type3A_5 {offsets = [0, 0], sizes = [511, 512], strides = [1, 1]} : vector<512x512xf32> to vector<511x512xf32>
    %concatenate3A = tpu.concatenate %slice3A, %slice3A_6 in 0 : vector<1x512xf32>, vector<511x512xf32> -> vector<512x512xf32>
    %slice3A_7 = vector.extract_strided_slice %convert_element_type3A_5 {offsets = [1, 0], sizes = [511, 512], strides = [1, 1]} : vector<512x512xf32> to vector<511x512xf32>
    %slice3A_8 = vector.extract_strided_slice %convert_element_type3A_5 {offsets = [510, 0], sizes = [1, 512], strides = [1, 1]} : vector<512x512xf32> to vector<1x512xf32>
    %concatenate3A_9 = tpu.concatenate %slice3A_7, %slice3A_8 in 0 : vector<511x512xf32>, vector<1x512xf32> -> vector<512x512xf32>
    %mul3A = arith.constant 2.000000e+00 : f32
    %mul3A_10 = vector.broadcast %mul3A : f32 to vector<512x512xf32>
    %mul3A_11 = arith.mulf %mul3A_10, %convert_element_type3A_5 : vector<512x512xf32>
    %add3A = arith.addf %concatenate3A, %mul3A_11 : vector<512x512xf32>
    %add3A_12 = arith.addf %add3A, %concatenate3A_9 : vector<512x512xf32>
    %slice3A_13 = vector.extract_strided_slice %convert_element_type3A_5 {offsets = [0, 1], sizes = [512, 1], strides = [1, 1]} : vector<512x512xf32> to vector<512x1xf32>
    %slice3A_14 = vector.extract_strided_slice %convert_element_type3A_5 {offsets = [0, 0], sizes = [512, 511], strides = [1, 1]} : vector<512x512xf32> to vector<512x511xf32>
    %concatenate3A_15 = tpu.concatenate %slice3A_13, %slice3A_14 in 1 : vector<512x1xf32>, vector<512x511xf32> -> vector<512x512xf32>
    %slice3A_16 = vector.extract_strided_slice %convert_element_type3A_5 {offsets = [0, 1], sizes = [512, 511], strides = [1, 1]} : vector<512x512xf32> to vector<512x511xf32>
    %slice3A_17 = vector.extract_strided_slice %convert_element_type3A_5 {offsets = [0, 510], sizes = [512, 1], strides = [1, 1]} : vector<512x512xf32> to vector<512x1xf32>
    %concatenate3A_18 = tpu.concatenate %slice3A_16, %slice3A_17 in 1 : vector<512x511xf32>, vector<512x1xf32> -> vector<512x512xf32>
    %mul3A_19 = arith.constant 2.000000e+00 : f32
    %mul3A_20 = vector.broadcast %mul3A_19 : f32 to vector<512x512xf32>
    %mul3A_21 = arith.mulf %mul3A_20, %convert_element_type3A_5 : vector<512x512xf32>
    %add3A_22 = arith.addf %concatenate3A_15, %mul3A_21 : vector<512x512xf32>
    %add3A_23 = arith.addf %add3A_22, %concatenate3A_18 : vector<512x512xf32>
    %slice3A_24 = vector.extract_strided_slice %add3A_12 {offsets = [0, 1], sizes = [512, 1], strides = [1, 1]} : vector<512x512xf32> to vector<512x1xf32>
    %slice3A_25 = vector.extract_strided_slice %add3A_12 {offsets = [0, 0], sizes = [512, 511], strides = [1, 1]} : vector<512x512xf32> to vector<512x511xf32>
    %concatenate3A_26 = tpu.concatenate %slice3A_24, %slice3A_25 in 1 : vector<512x1xf32>, vector<512x511xf32> -> vector<512x512xf32>
    %slice3A_27 = vector.extract_strided_slice %add3A_12 {offsets = [0, 1], sizes = [512, 511], strides = [1, 1]} : vector<512x512xf32> to vector<512x511xf32>
    %slice3A_28 = vector.extract_strided_slice %add3A_12 {offsets = [0, 510], sizes = [512, 1], strides = [1, 1]} : vector<512x512xf32> to vector<512x1xf32>
    %concatenate3A_29 = tpu.concatenate %slice3A_27, %slice3A_28 in 1 : vector<512x511xf32>, vector<512x1xf32> -> vector<512x512xf32>
    %sub3A = arith.subf %concatenate3A_26, %concatenate3A_29 : vector<512x512xf32>
    %slice3A_30 = vector.extract_strided_slice %add3A_23 {offsets = [1, 0], sizes = [1, 512], strides = [1, 1]} : vector<512x512xf32> to vector<1x512xf32>
    %slice3A_31 = vector.extract_strided_slice %add3A_23 {offsets = [0, 0], sizes = [511, 512], strides = [1, 1]} : vector<512x512xf32> to vector<511x512xf32>
    %concatenate3A_32 = tpu.concatenate %slice3A_30, %slice3A_31 in 0 : vector<1x512xf32>, vector<511x512xf32> -> vector<512x512xf32>
    %slice3A_33 = vector.extract_strided_slice %add3A_23 {offsets = [1, 0], sizes = [511, 512], strides = [1, 1]} : vector<512x512xf32> to vector<511x512xf32>
    %slice3A_34 = vector.extract_strided_slice %add3A_23 {offsets = [510, 0], sizes = [1, 512], strides = [1, 1]} : vector<512x512xf32> to vector<1x512xf32>
    %concatenate3A_35 = tpu.concatenate %slice3A_33, %slice3A_34 in 0 : vector<511x512xf32>, vector<1x512xf32> -> vector<512x512xf32>
    %sub3A_36 = arith.subf %concatenate3A_32, %concatenate3A_35 : vector<512x512xf32>
    %mul3A_37 = arith.mulf %sub3A, %sub3A : vector<512x512xf32>
    %mul3A_38 = arith.mulf %sub3A_36, %sub3A_36 : vector<512x512xf32>
    %add3A_39 = arith.addf %mul3A_37, %mul3A_38 : vector<512x512xf32>
    %sqrt3A = math.sqrt %add3A_39 : vector<512x512xf32>
    %abs3A = math.absf %sub3A : vector<512x512xf32>
    %gt3A = arith.constant 0.000000e+00 : f32
    %gt3A_40 = vector.broadcast %gt3A : f32 to vector<512x512xf32>
    %gt3A_41 = arith.cmpf ogt, %sub3A, %gt3A_40 : vector<512x512xf32>
    %lt3A = arith.constant 0.000000e+00 : f32
    %lt3A_42 = vector.broadcast %lt3A : f32 to vector<512x512xf32>
    %lt3A_43 = arith.cmpf olt, %sub3A, %lt3A_42 : vector<512x512xf32>
    %neg3A = arith.constant 0.000000e+00 : f32
    %neg3A_44 = vector.broadcast %neg3A : f32 to vector<512x512xf32>
    %neg3A_45 = arith.subf %neg3A_44, %sub3A_36 : vector<512x512xf32>
    %abs3A_46 = math.absf %sub3A_36 : vector<512x512xf32>
    %select_n3A = arith.select %lt3A_43, %neg3A_45, %abs3A_46 : vector<512x512xi1>, vector<512x512xf32>
    %select_n3A_47 = arith.select %gt3A_41, %sub3A_36, %select_n3A : vector<512x512xi1>, vector<512x512xf32>
    %div3A = arith.divf %select_n3A_47, %abs3A : vector<512x512xf32>
    %iota3A = tpu.iota {dimensions = array<i32: 0>} : vector<512x64xi32>
    %jit3A = arith.constant 8 : i32
    %div3A_48 = vector.broadcast %jit3A : i32 to vector<512x64xi32>
    %div3A_49 = arith.divsi %iota3A, %div3A_48 : vector<512x64xi32>
    %sign3A = arith.constant 0 : i32
    %sign3A_50 = vector.broadcast %sign3A : i32 to vector<512x64xi32>
    %sign3A_51 = arith.cmpi sgt, %iota3A, %sign3A_50 : vector<512x64xi32>
    %sign3A_52 = arith.extui %sign3A_51 : vector<512x64xi1> to vector<512x64xi32>
    %sign3A_53 = arith.constant 0 : i32
    %sign3A_54 = vector.broadcast %sign3A_53 : i32 to vector<512x64xi32>
    %sign3A_55 = arith.cmpi slt, %iota3A, %sign3A_54 : vector<512x64xi32>
    %sign3A_56 = arith.extui %sign3A_55 : vector<512x64xi1> to vector<512x64xi32>
    %sign3A_57 = arith.subi %sign3A_52, %sign3A_56 : vector<512x64xi32>
    %sign3A_58 = arith.constant 0 : i32
    %sign3A_59 = arith.cmpi sgt, %jit3A, %sign3A_58 : i32
    %sign3A_60 = arith.extui %sign3A_59 : i1 to i32
    %sign3A_61 = arith.constant 0 : i32
    %sign3A_62 = arith.cmpi slt, %jit3A, %sign3A_61 : i32
    %sign3A_63 = arith.extui %sign3A_62 : i1 to i32
    %sign3A_64 = arith.subi %sign3A_60, %sign3A_63 : i32
    %ne3A = vector.broadcast %sign3A_64 : i32 to vector<512x64xi32>
    %ne3A_65 = arith.cmpi ne, %sign3A_57, %ne3A : vector<512x64xi32>
    %rem3A = vector.broadcast %jit3A : i32 to vector<512x64xi32>
    %rem3A_66 = arith.remsi %iota3A, %rem3A : vector<512x64xi32>
    %ne3A_67 = arith.constant 0 : i32
    %ne3A_68 = vector.broadcast %ne3A_67 : i32 to vector<512x64xi32>
    %ne3A_69 = arith.cmpi ne, %rem3A_66, %ne3A_68 : vector<512x64xi32>
    %and3A = arith.andi %ne3A_65, %ne3A_69 : vector<512x64xi1>
    %sub3A_70 = arith.constant 1 : i32
    %sub3A_71 = vector.broadcast %sub3A_70 : i32 to vector<512x64xi32>
    %sub3A_72 = arith.subi %div3A_49, %sub3A_71 : vector<512x64xi32>
    %select_n3A_73 = arith.select %and3A, %sub3A_72, %div3A_49 : vector<512x64xi1>, vector<512x64xi32>
    %iota3A_74 = tpu.iota {dimensions = array<i32: 1>} : vector<512x64xi32>
    %eq3A = arith.cmpi eq, %select_n3A_73, %iota3A_74 : vector<512x64xi32>
    %convert_element_type3A_75 = arith.extui %eq3A : vector<512x64xi1> to vector<512x64xi32>
    %convert_element_type3A_76 = arith.sitofp %convert_element_type3A_75 : vector<512x64xi32> to vector<512x64xf32>
    %le3A = arith.constant 2.74747753 : f32
    %le3A_77 = vector.broadcast %le3A : f32 to vector<512x512xf32>
    %le3A_78 = arith.cmpf ole, %div3A, %le3A_77 : vector<512x512xf32>
    %jit3A_79 = arith.constant 0.000000e+00 : f32
    %broadcast_in_dim3A = vector.broadcast %jit3A_79 : f32 to vector<512x512xf32>
    %select_n3A_80 = arith.select %le3A_78, %sqrt3A, %broadcast_in_dim3A : vector<512x512xi1>, vector<512x512xf32>
    %le3A_81 = arith.constant 1.19175363 : f32
    %le3A_82 = vector.broadcast %le3A_81 : f32 to vector<512x512xf32>
    %le3A_83 = arith.cmpf ole, %div3A, %le3A_82 : vector<512x512xf32>
    %jit3A_84 = arith.constant 0.000000e+00 : f32
    %broadcast_in_dim3A_85 = vector.broadcast %jit3A_84 : f32 to vector<512x512xf32>
    %select_n3A_86 = arith.select %le3A_83, %sqrt3A, %broadcast_in_dim3A_85 : vector<512x512xi1>, vector<512x512xf32>
    %le3A_87 = arith.constant 0.577350259 : f32
    %le3A_88 = vector.broadcast %le3A_87 : f32 to vector<512x512xf32>
    %le3A_89 = arith.cmpf ole, %div3A, %le3A_88 : vector<512x512xf32>
    %jit3A_90 = arith.constant 0.000000e+00 : f32
    %broadcast_in_dim3A_91 = vector.broadcast %jit3A_90 : f32 to vector<512x512xf32>
    %select_n3A_92 = arith.select %le3A_89, %sqrt3A, %broadcast_in_dim3A_91 : vector<512x512xi1>, vector<512x512xf32>
    %le3A_93 = arith.constant 0.176326975 : f32
    %le3A_94 = vector.broadcast %le3A_93 : f32 to vector<512x512xf32>
    %le3A_95 = arith.cmpf ole, %div3A, %le3A_94 : vector<512x512xf32>
    %jit3A_96 = arith.constant 0.000000e+00 : f32
    %broadcast_in_dim3A_97 = vector.broadcast %jit3A_96 : f32 to vector<512x512xf32>
    %select_n3A_98 = arith.select %le3A_95, %sqrt3A, %broadcast_in_dim3A_97 : vector<512x512xi1>, vector<512x512xf32>
    %le3A_99 = arith.constant -0.176326975 : f32
    %le3A_100 = vector.broadcast %le3A_99 : f32 to vector<512x512xf32>
    %le3A_101 = arith.cmpf ole, %div3A, %le3A_100 : vector<512x512xf32>
    %jit3A_102 = arith.constant 0.000000e+00 : f32
    %broadcast_in_dim3A_103 = vector.broadcast %jit3A_102 : f32 to vector<512x512xf32>
    %select_n3A_104 = arith.select %le3A_101, %sqrt3A, %broadcast_in_dim3A_103 : vector<512x512xi1>, vector<512x512xf32>
    %le3A_105 = arith.constant -0.577350259 : f32
    %le3A_106 = vector.broadcast %le3A_105 : f32 to vector<512x512xf32>
    %le3A_107 = arith.cmpf ole, %div3A, %le3A_106 : vector<512x512xf32>
    %jit3A_108 = arith.constant 0.000000e+00 : f32
    %broadcast_in_dim3A_109 = vector.broadcast %jit3A_108 : f32 to vector<512x512xf32>
    %select_n3A_110 = arith.select %le3A_107, %sqrt3A, %broadcast_in_dim3A_109 : vector<512x512xi1>, vector<512x512xf32>
    %le3A_111 = arith.constant -1.19175363 : f32
    %le3A_112 = vector.broadcast %le3A_111 : f32 to vector<512x512xf32>
    %le3A_113 = arith.cmpf ole, %div3A, %le3A_112 : vector<512x512xf32>
    %jit3A_114 = arith.constant 0.000000e+00 : f32
    %broadcast_in_dim3A_115 = vector.broadcast %jit3A_114 : f32 to vector<512x512xf32>
    %select_n3A_116 = arith.select %le3A_113, %sqrt3A, %broadcast_in_dim3A_115 : vector<512x512xi1>, vector<512x512xf32>
    %le3A_117 = arith.constant -2.74747753 : f32
    %le3A_118 = vector.broadcast %le3A_117 : f32 to vector<512x512xf32>
    %le3A_119 = arith.cmpf ole, %div3A, %le3A_118 : vector<512x512xf32>
    %jit3A_120 = arith.constant 0.000000e+00 : f32
    %broadcast_in_dim3A_121 = vector.broadcast %jit3A_120 : f32 to vector<512x512xf32>
    %select_n3A_122 = arith.select %le3A_119, %sqrt3A, %broadcast_in_dim3A_121 : vector<512x512xi1>, vector<512x512xf32>
    %reshape3A = vector.shape_cast %sqrt3A : vector<512x512xf32> to vector<64x8x512xf32>
    %reduce_sum3A = arith.constant dense<0.000000e+00> : vector<64x512xf32>
    %reduce_sum3A_123 = vector.multi_reduction <add>, %reshape3A, %reduce_sum3A [1] : vector<64x8x512xf32> to vector<64x512xf32>
    %dot_general3A = arith.constant dense<0.000000e+00> : vector<64x64xf32>
    %dot_general3A_124 = tpu.matmul %reduce_sum3A_123, %convert_element_type3A_76, %dot_general3A {dimension_numbers = #tpu.dot_dimension_numbers<[1], [0], [0], [1], [0, 0, 1, 1], [], []>, transpose_lhs_hint = false} : vector<64x512xf32>, vector<512x64xf32>, vector<64x64xf32> -> vector<64x64xf32>
    %mul3A_125 = arith.constant 1.562500e-02 : f32
    %mul3A_126 = vector.broadcast %mul3A_125 : f32 to vector<64x64xf32>
    %mul3A_127 = arith.mulf %dot_general3A_124, %mul3A_126 : vector<64x64xf32>
    %reshape3A_128 = vector.shape_cast %select_n3A_80 : vector<512x512xf32> to vector<64x8x512xf32>
    %reduce_sum3A_129 = arith.constant dense<0.000000e+00> : vector<64x512xf32>
    %reduce_sum3A_130 = vector.multi_reduction <add>, %reshape3A_128, %reduce_sum3A_129 [1] : vector<64x8x512xf32> to vector<64x512xf32>
    %dot_general3A_131 = arith.constant dense<0.000000e+00> : vector<64x64xf32>
    %dot_general3A_132 = tpu.matmul %reduce_sum3A_130, %convert_element_type3A_76, %dot_general3A_131 {dimension_numbers = #tpu.dot_dimension_numbers<[1], [0], [0], [1], [0, 0, 1, 1], [], []>, transpose_lhs_hint = false} : vector<64x512xf32>, vector<512x64xf32>, vector<64x64xf32> -> vector<64x64xf32>
    %mul3A_133 = arith.constant 1.562500e-02 : f32
    %mul3A_134 = vector.broadcast %mul3A_133 : f32 to vector<64x64xf32>
    %mul3A_135 = arith.mulf %dot_general3A_132, %mul3A_134 : vector<64x64xf32>
    %reshape3A_136 = vector.shape_cast %select_n3A_86 : vector<512x512xf32> to vector<64x8x512xf32>
    %reduce_sum3A_137 = arith.constant dense<0.000000e+00> : vector<64x512xf32>
    %reduce_sum3A_138 = vector.multi_reduction <add>, %reshape3A_136, %reduce_sum3A_137 [1] : vector<64x8x512xf32> to vector<64x512xf32>
    %dot_general3A_139 = arith.constant dense<0.000000e+00> : vector<64x64xf32>
    %dot_general3A_140 = tpu.matmul %reduce_sum3A_138, %convert_element_type3A_76, %dot_general3A_139 {dimension_numbers = #tpu.dot_dimension_numbers<[1], [0], [0], [1], [0, 0, 1, 1], [], []>, transpose_lhs_hint = false} : vector<64x512xf32>, vector<512x64xf32>, vector<64x64xf32> -> vector<64x64xf32>
    %mul3A_141 = arith.constant 1.562500e-02 : f32
    %mul3A_142 = vector.broadcast %mul3A_141 : f32 to vector<64x64xf32>
    %mul3A_143 = arith.mulf %dot_general3A_140, %mul3A_142 : vector<64x64xf32>
    %reshape3A_144 = vector.shape_cast %select_n3A_92 : vector<512x512xf32> to vector<64x8x512xf32>
    %reduce_sum3A_145 = arith.constant dense<0.000000e+00> : vector<64x512xf32>
    %reduce_sum3A_146 = vector.multi_reduction <add>, %reshape3A_144, %reduce_sum3A_145 [1] : vector<64x8x512xf32> to vector<64x512xf32>
    %dot_general3A_147 = arith.constant dense<0.000000e+00> : vector<64x64xf32>
    %dot_general3A_148 = tpu.matmul %reduce_sum3A_146, %convert_element_type3A_76, %dot_general3A_147 {dimension_numbers = #tpu.dot_dimension_numbers<[1], [0], [0], [1], [0, 0, 1, 1], [], []>, transpose_lhs_hint = false} : vector<64x512xf32>, vector<512x64xf32>, vector<64x64xf32> -> vector<64x64xf32>
    %mul3A_149 = arith.constant 1.562500e-02 : f32
    %mul3A_150 = vector.broadcast %mul3A_149 : f32 to vector<64x64xf32>
    %mul3A_151 = arith.mulf %dot_general3A_148, %mul3A_150 : vector<64x64xf32>
    %reshape3A_152 = vector.shape_cast %select_n3A_98 : vector<512x512xf32> to vector<64x8x512xf32>
    %reduce_sum3A_153 = arith.constant dense<0.000000e+00> : vector<64x512xf32>
    %reduce_sum3A_154 = vector.multi_reduction <add>, %reshape3A_152, %reduce_sum3A_153 [1] : vector<64x8x512xf32> to vector<64x512xf32>
    %dot_general3A_155 = arith.constant dense<0.000000e+00> : vector<64x64xf32>
    %dot_general3A_156 = tpu.matmul %reduce_sum3A_154, %convert_element_type3A_76, %dot_general3A_155 {dimension_numbers = #tpu.dot_dimension_numbers<[1], [0], [0], [1], [0, 0, 1, 1], [], []>, transpose_lhs_hint = false} : vector<64x512xf32>, vector<512x64xf32>, vector<64x64xf32> -> vector<64x64xf32>
    %mul3A_157 = arith.constant 1.562500e-02 : f32
    %mul3A_158 = vector.broadcast %mul3A_157 : f32 to vector<64x64xf32>
    %mul3A_159 = arith.mulf %dot_general3A_156, %mul3A_158 : vector<64x64xf32>
    %reshape3A_160 = vector.shape_cast %select_n3A_104 : vector<512x512xf32> to vector<64x8x512xf32>
    %reduce_sum3A_161 = arith.constant dense<0.000000e+00> : vector<64x512xf32>
    %reduce_sum3A_162 = vector.multi_reduction <add>, %reshape3A_160, %reduce_sum3A_161 [1] : vector<64x8x512xf32> to vector<64x512xf32>
    %dot_general3A_163 = arith.constant dense<0.000000e+00> : vector<64x64xf32>
    %dot_general3A_164 = tpu.matmul %reduce_sum3A_162, %convert_element_type3A_76, %dot_general3A_163 {dimension_numbers = #tpu.dot_dimension_numbers<[1], [0], [0], [1], [0, 0, 1, 1], [], []>, transpose_lhs_hint = false} : vector<64x512xf32>, vector<512x64xf32>, vector<64x64xf32> -> vector<64x64xf32>
    %mul3A_165 = arith.constant 1.562500e-02 : f32
    %mul3A_166 = vector.broadcast %mul3A_165 : f32 to vector<64x64xf32>
    %mul3A_167 = arith.mulf %dot_general3A_164, %mul3A_166 : vector<64x64xf32>
    %reshape3A_168 = vector.shape_cast %select_n3A_110 : vector<512x512xf32> to vector<64x8x512xf32>
    %reduce_sum3A_169 = arith.constant dense<0.000000e+00> : vector<64x512xf32>
    %reduce_sum3A_170 = vector.multi_reduction <add>, %reshape3A_168, %reduce_sum3A_169 [1] : vector<64x8x512xf32> to vector<64x512xf32>
    %dot_general3A_171 = arith.constant dense<0.000000e+00> : vector<64x64xf32>
    %dot_general3A_172 = tpu.matmul %reduce_sum3A_170, %convert_element_type3A_76, %dot_general3A_171 {dimension_numbers = #tpu.dot_dimension_numbers<[1], [0], [0], [1], [0, 0, 1, 1], [], []>, transpose_lhs_hint = false} : vector<64x512xf32>, vector<512x64xf32>, vector<64x64xf32> -> vector<64x64xf32>
    %mul3A_173 = arith.constant 1.562500e-02 : f32
    %mul3A_174 = vector.broadcast %mul3A_173 : f32 to vector<64x64xf32>
    %mul3A_175 = arith.mulf %dot_general3A_172, %mul3A_174 : vector<64x64xf32>
    %reshape3A_176 = vector.shape_cast %select_n3A_116 : vector<512x512xf32> to vector<64x8x512xf32>
    %reduce_sum3A_177 = arith.constant dense<0.000000e+00> : vector<64x512xf32>
    %reduce_sum3A_178 = vector.multi_reduction <add>, %reshape3A_176, %reduce_sum3A_177 [1] : vector<64x8x512xf32> to vector<64x512xf32>
    %dot_general3A_179 = arith.constant dense<0.000000e+00> : vector<64x64xf32>
    %dot_general3A_180 = tpu.matmul %reduce_sum3A_178, %convert_element_type3A_76, %dot_general3A_179 {dimension_numbers = #tpu.dot_dimension_numbers<[1], [0], [0], [1], [0, 0, 1, 1], [], []>, transpose_lhs_hint = false} : vector<64x512xf32>, vector<512x64xf32>, vector<64x64xf32> -> vector<64x64xf32>
    %mul3A_181 = arith.constant 1.562500e-02 : f32
    %mul3A_182 = vector.broadcast %mul3A_181 : f32 to vector<64x64xf32>
    %mul3A_183 = arith.mulf %dot_general3A_180, %mul3A_182 : vector<64x64xf32>
    %reshape3A_184 = vector.shape_cast %select_n3A_122 : vector<512x512xf32> to vector<64x8x512xf32>
    %reduce_sum3A_185 = arith.constant dense<0.000000e+00> : vector<64x512xf32>
    %reduce_sum3A_186 = vector.multi_reduction <add>, %reshape3A_184, %reduce_sum3A_185 [1] : vector<64x8x512xf32> to vector<64x512xf32>
    %dot_general3A_187 = arith.constant dense<0.000000e+00> : vector<64x64xf32>
    %dot_general3A_188 = tpu.matmul %reduce_sum3A_186, %convert_element_type3A_76, %dot_general3A_187 {dimension_numbers = #tpu.dot_dimension_numbers<[1], [0], [0], [1], [0, 0, 1, 1], [], []>, transpose_lhs_hint = false} : vector<64x512xf32>, vector<512x64xf32>, vector<64x64xf32> -> vector<64x64xf32>
    %mul3A_189 = arith.constant 1.562500e-02 : f32
    %mul3A_190 = vector.broadcast %mul3A_189 : f32 to vector<64x64xf32>
    %mul3A_191 = arith.mulf %dot_general3A_188, %mul3A_190 : vector<64x64xf32>
    %sub3A_192 = arith.subf %mul3A_127, %mul3A_135 : vector<64x64xf32>
    %sub3A_193 = arith.subf %mul3A_135, %mul3A_143 : vector<64x64xf32>
    %sub3A_194 = arith.subf %mul3A_143, %mul3A_151 : vector<64x64xf32>
    %sub3A_195 = arith.subf %mul3A_151, %mul3A_159 : vector<64x64xf32>
    %sub3A_196 = arith.subf %mul3A_159, %mul3A_167 : vector<64x64xf32>
    %sub3A_197 = arith.subf %mul3A_167, %mul3A_175 : vector<64x64xf32>
    %sub3A_198 = arith.subf %mul3A_175, %mul3A_183 : vector<64x64xf32>
    %sub3A_199 = arith.subf %mul3A_183, %mul3A_191 : vector<64x64xf32>
    %mul3A_200 = arith.mulf %sub3A_192, %sub3A_192 : vector<64x64xf32>
    %mul3A_201 = arith.mulf %sub3A_193, %sub3A_193 : vector<64x64xf32>
    %add3A_202 = arith.addf %mul3A_200, %mul3A_201 : vector<64x64xf32>
    %mul3A_203 = arith.mulf %sub3A_194, %sub3A_194 : vector<64x64xf32>
    %add3A_204 = arith.addf %add3A_202, %mul3A_203 : vector<64x64xf32>
    %mul3A_205 = arith.mulf %sub3A_195, %sub3A_195 : vector<64x64xf32>
    %add3A_206 = arith.addf %add3A_204, %mul3A_205 : vector<64x64xf32>
    %mul3A_207 = arith.mulf %sub3A_196, %sub3A_196 : vector<64x64xf32>
    %add3A_208 = arith.addf %add3A_206, %mul3A_207 : vector<64x64xf32>
    %mul3A_209 = arith.mulf %sub3A_197, %sub3A_197 : vector<64x64xf32>
    %add3A_210 = arith.addf %add3A_208, %mul3A_209 : vector<64x64xf32>
    %mul3A_211 = arith.mulf %sub3A_198, %sub3A_198 : vector<64x64xf32>
    %add3A_212 = arith.addf %add3A_210, %mul3A_211 : vector<64x64xf32>
    %mul3A_213 = arith.mulf %sub3A_199, %sub3A_199 : vector<64x64xf32>
    %add3A_214 = arith.addf %add3A_212, %mul3A_213 : vector<64x64xf32>
    %mul3A_215 = arith.mulf %mul3A_191, %mul3A_191 : vector<64x64xf32>
    %add3A_216 = arith.addf %add3A_214, %mul3A_215 : vector<64x64xf32>
    %sqrt3A_217 = math.sqrt %add3A_216 : vector<64x64xf32>
    %max3A = arith.constant 9.99999996E-13 : f32
    %max3A_218 = vector.broadcast %max3A : f32 to vector<64x64xf32>
    %max3A_219 = arith.maximumf %sqrt3A_217, %max3A_218 : vector<64x64xf32>
    %div3A_220 = arith.constant 1.000000e+00 : f32
    %div3A_221 = vector.broadcast %div3A_220 : f32 to vector<64x64xf32>
    %div3A_222 = arith.divf %div3A_221, %max3A_219 : vector<64x64xf32>
    %mul3A_223 = arith.mulf %sub3A_192, %div3A_222 : vector<64x64xf32>
    %swap3A = arith.constant 0 : index
    %swap3A_224 = arith.constant 0 : index
    %swap3A_225 = arith.constant 0 : index
    %swap3A_226 = arith.constant 0 : index
    %swap3A_227 = vector.load %arg2[%swap3A, %swap3A_224, %swap3A_225, %swap3A_226] : memref<1x9x64x64xf32, #tpu.memory_space<vmem>>, vector<1x1x64x64xf32>
    %swap3A_228 = vector.shape_cast %swap3A_227 : vector<1x1x64x64xf32> to vector<64x64xf32>
    %swap3A_229 = vector.shape_cast %mul3A_223 : vector<64x64xf32> to vector<1x1x64x64xf32>
    tpu.vector_store %arg2[%swap3A, %swap3A_224, %swap3A_225, %swap3A_226], %swap3A_229 {strides = array<i32>} : memref<1x9x64x64xf32, #tpu.memory_space<vmem>>, vector<1x1x64x64xf32>,
    %mul3A_230 = arith.mulf %sub3A_193, %div3A_222 : vector<64x64xf32>
    %swap3A_231 = arith.constant 0 : index
    %swap3A_232 = arith.constant 1 : index
    %swap3A_233 = arith.constant 0 : index
    %swap3A_234 = arith.constant 0 : index
    %swap3A_235 = vector.load %arg2[%swap3A_231, %swap3A_232, %swap3A_233, %swap3A_234] : memref<1x9x64x64xf32, #tpu.memory_space<vmem>>, vector<1x1x64x64xf32>
    %swap3A_236 = vector.shape_cast %swap3A_235 : vector<1x1x64x64xf32> to vector<64x64xf32>
    %swap3A_237 = vector.shape_cast %mul3A_230 : vector<64x64xf32> to vector<1x1x64x64xf32>
    tpu.vector_store %arg2[%swap3A_231, %swap3A_232, %swap3A_233, %swap3A_234], %swap3A_237 {strides = array<i32>} : memref<1x9x64x64xf32, #tpu.memory_space<vmem>>, vector<1x1x64x64xf32>,
    %mul3A_238 = arith.mulf %sub3A_194, %div3A_222 : vector<64x64xf32>
    %swap3A_239 = arith.constant 0 : index
    %swap3A_240 = arith.constant 2 : index
    %swap3A_241 = arith.constant 0 : index
    %swap3A_242 = arith.constant 0 : index
    %swap3A_243 = vector.load %arg2[%swap3A_239, %swap3A_240, %swap3A_241, %swap3A_242] : memref<1x9x64x64xf32, #tpu.memory_space<vmem>>, vector<1x1x64x64xf32>
    %swap3A_244 = vector.shape_cast %swap3A_243 : vector<1x1x64x64xf32> to vector<64x64xf32>
    %swap3A_245 = vector.shape_cast %mul3A_238 : vector<64x64xf32> to vector<1x1x64x64xf32>
    tpu.vector_store %arg2[%swap3A_239, %swap3A_240, %swap3A_241, %swap3A_242], %swap3A_245 {strides = array<i32>} : memref<1x9x64x64xf32, #tpu.memory_space<vmem>>, vector<1x1x64x64xf32>,
    %mul3A_246 = arith.mulf %sub3A_195, %div3A_222 : vector<64x64xf32>
    %swap3A_247 = arith.constant 0 : index
    %swap3A_248 = arith.constant 3 : index
    %swap3A_249 = arith.constant 0 : index
    %swap3A_250 = arith.constant 0 : index
    %swap3A_251 = vector.load %arg2[%swap3A_247, %swap3A_248, %swap3A_249, %swap3A_250] : memref<1x9x64x64xf32, #tpu.memory_space<vmem>>, vector<1x1x64x64xf32>
    %swap3A_252 = vector.shape_cast %swap3A_251 : vector<1x1x64x64xf32> to vector<64x64xf32>
    %swap3A_253 = vector.shape_cast %mul3A_246 : vector<64x64xf32> to vector<1x1x64x64xf32>
    tpu.vector_store %arg2[%swap3A_247, %swap3A_248, %swap3A_249, %swap3A_250], %swap3A_253 {strides = array<i32>} : memref<1x9x64x64xf32, #tpu.memory_space<vmem>>, vector<1x1x64x64xf32>,
    %mul3A_254 = arith.mulf %sub3A_196, %div3A_222 : vector<64x64xf32>
    %swap3A_255 = arith.constant 0 : index
    %swap3A_256 = arith.constant 4 : index
    %swap3A_257 = arith.constant 0 : index
    %swap3A_258 = arith.constant 0 : index
    %swap3A_259 = vector.load %arg2[%swap3A_255, %swap3A_256, %swap3A_257, %swap3A_258] : memref<1x9x64x64xf32, #tpu.memory_space<vmem>>, vector<1x1x64x64xf32>
    %swap3A_260 = vector.shape_cast %swap3A_259 : vector<1x1x64x64xf32> to vector<64x64xf32>
    %swap3A_261 = vector.shape_cast %mul3A_254 : vector<64x64xf32> to vector<1x1x64x64xf32>
    tpu.vector_store %arg2[%swap3A_255, %swap3A_256, %swap3A_257, %swap3A_258], %swap3A_261 {strides = array<i32>} : memref<1x9x64x64xf32, #tpu.memory_space<vmem>>, vector<1x1x64x64xf32>,
    %mul3A_262 = arith.mulf %sub3A_197, %div3A_222 : vector<64x64xf32>
    %swap3A_263 = arith.constant 0 : index
    %swap3A_264 = arith.constant 5 : index
    %swap3A_265 = arith.constant 0 : index
    %swap3A_266 = arith.constant 0 : index
    %swap3A_267 = vector.load %arg2[%swap3A_263, %swap3A_264, %swap3A_265, %swap3A_266] : memref<1x9x64x64xf32, #tpu.memory_space<vmem>>, vector<1x1x64x64xf32>
    %swap3A_268 = vector.shape_cast %swap3A_267 : vector<1x1x64x64xf32> to vector<64x64xf32>
    %swap3A_269 = vector.shape_cast %mul3A_262 : vector<64x64xf32> to vector<1x1x64x64xf32>
    tpu.vector_store %arg2[%swap3A_263, %swap3A_264, %swap3A_265, %swap3A_266], %swap3A_269 {strides = array<i32>} : memref<1x9x64x64xf32, #tpu.memory_space<vmem>>, vector<1x1x64x64xf32>,
    %mul3A_270 = arith.mulf %sub3A_198, %div3A_222 : vector<64x64xf32>
    %swap3A_271 = arith.constant 0 : index
    %swap3A_272 = arith.constant 6 : index
    %swap3A_273 = arith.constant 0 : index
    %swap3A_274 = arith.constant 0 : index
    %swap3A_275 = vector.load %arg2[%swap3A_271, %swap3A_272, %swap3A_273, %swap3A_274] : memref<1x9x64x64xf32, #tpu.memory_space<vmem>>, vector<1x1x64x64xf32>
    %swap3A_276 = vector.shape_cast %swap3A_275 : vector<1x1x64x64xf32> to vector<64x64xf32>
    %swap3A_277 = vector.shape_cast %mul3A_270 : vector<64x64xf32> to vector<1x1x64x64xf32>
    tpu.vector_store %arg2[%swap3A_271, %swap3A_272, %swap3A_273, %swap3A_274], %swap3A_277 {strides = array<i32>} : memref<1x9x64x64xf32, #tpu.memory_space<vmem>>, vector<1x1x64x64xf32>,
    %mul3A_278 = arith.mulf %sub3A_199, %div3A_222 : vector<64x64xf32>
    %swap3A_279 = arith.constant 0 : index
    %swap3A_280 = arith.constant 7 : index
    %swap3A_281 = arith.constant 0 : index
    %swap3A_282 = arith.constant 0 : index
    %swap3A_283 = vector.load %arg2[%swap3A_279, %swap3A_280, %swap3A_281, %swap3A_282] : memref<1x9x64x64xf32, #tpu.memory_space<vmem>>, vector<1x1x64x64xf32>
    %swap3A_284 = vector.shape_cast %swap3A_283 : vector<1x1x64x64xf32> to vector<64x64xf32>
    %swap3A_285 = vector.shape_cast %mul3A_278 : vector<64x64xf32> to vector<1x1x64x64xf32>
    tpu.vector_store %arg2[%swap3A_279, %swap3A_280, %swap3A_281, %swap3A_282], %swap3A_285 {strides = array<i32>} : memref<1x9x64x64xf32, #tpu.memory_space<vmem>>, vector<1x1x64x64xf32>,
    %mul3A_286 = arith.mulf %mul3A_191, %div3A_222 : vector<64x64xf32>
    %swap3A_287 = arith.constant 0 : index
    %swap3A_288 = arith.constant 8 : index
    %swap3A_289 = arith.constant 0 : index
    %swap3A_290 = arith.constant 0 : index
    %swap3A_291 = vector.load %arg2[%swap3A_287, %swap3A_288, %swap3A_289, %swap3A_290] : memref<1x9x64x64xf32, #tpu.memory_space<vmem>>, vector<1x1x64x64xf32>
    %swap3A_292 = vector.shape_cast %swap3A_291 : vector<1x1x64x64xf32> to vector<64x64xf32>
    %swap3A_293 = vector.shape_cast %mul3A_286 : vector<64x64xf32> to vector<1x1x64x64xf32>
    tpu.vector_store %arg2[%swap3A_287, %swap3A_288, %swap3A_289, %swap3A_290], %swap3A_293 {strides = array<i32>} : memref<1x9x64x64xf32, #tpu.memory_space<vmem>>, vector<1x1x64x64xf32>,
    return
  }
  func.func @transform_0(%arg0: i32) -> (i32, i32, i32, i32) {
    %c0_i32 = arith.constant 0 : i32
    %c0_i32_0 = arith.constant 0 : i32
    %c0_i32_1 = arith.constant 0 : i32
    %c0_i32_2 = arith.constant 0 : i32
    return %arg0, %c0_i32, %c0_i32_0, %c0_i32_1 : i32, i32, i32, i32
  }
  func.func @transform_1(%arg0: i32) -> (i32, i32, i32, i32) {
    %c0_i32 = arith.constant 0 : i32
    %c0_i32_0 = arith.constant 0 : i32
    %c0_i32_1 = arith.constant 0 : i32
    %c0_i32_2 = arith.constant 0 : i32
    return %arg0, %c0_i32, %c0_i32_0, %c0_i32_1 : i32, i32, i32, i32
  }
}

</mosaic_0001>

<sc_bundles>
// kernel: kernel.4.cloned.1.call-start
scs
__scs_entry_jumppad:
0x0: {  	(pc) =	sbr.rel $0x88, $3  }
0x1: {  	(tag) =	ssettag $0x0;
	lr =	simm.s32 $0x1  }
0x2: {  	[smem:$0x3FA0] =	sst lr;
	_ =	strace $0xD0000000  }
0x3: {  	_ = 	snop  }
0x4: {  	_ = 	snop  }
0x5: {  	_ = 	snop  }
0x6: {  	_ = 	snop  }
0x7: {  	_ = 	snop  }
__scs_overlays_trampoline_lowered:
0x8: {  	[smem:$0x3FAF] =	sst s0  }
0x9: {  	[smem:$0x3FB0] =	sst s1  }
0xa: {  	[smem:$0x3FB1] =	sst s2  }
0xb: {  	[smem:$0x3FB2] =	sst s3  }
0xc: {  	[smem:$0x3FB3] =	sst s4  }
0xd: {  	[smem:$0x3FB4] =	sst s5  }
0xe: {  	[smem:$0x3FB5] =	sst s6  }
0xf: {  	[smem:$0x3FB6] =	sst s7  }
0x10: {  	[smem:$0x3FB7] =	sst s8  }
0x11: {  	[smem:$0x3FB8] =	sst s9;
	s0 =	simm.s32 @!p0 $0x0  }
0x12: {  	s1 =	sld [smem:$0x3F9E];
	s0 =	simm.s32 @p0 $0x1  }
0x13: {  	[smem:$0x3FB9] =	sst s0;
	s0 =	simm.s32 @!p1 $0x0  }
0x14: {  	s2 =	sld [smem:$0x3F9D];
	s0 =	simm.s32 @p1 $0x1  }
0x15: {  	[smem:$0x3FBA] =	sst s0;
	s0 =	simm.s32 @!p2 $0x0  }
0x16: {  	s3 =	sld [smem:$0x3FDB];
	s0 =	simm.s32 @p2 $0x1  }
0x17: {  	s4 =	simm.s32 $0x1BF5;
	[smem:$0x3FBC] =	sst s0  }
0x18: {  	s0 =	sld [smem:$0x3F9F];
	_ =	swait.ge [sflag:s4], $0x0  }
0x19: {  	s7 =	sld [smem:$0x3FA0]  }
0x1a: {  	s8 =	sadd.s32 $0xFFFFE003, lr  }
0x1b: {  	s9 =	sadd.s32 $0xFFFFFEF7, lr;
	s5 =	simm.s32 $0xFFFFFFFF;
	p2 =	slt.u32 s8, $0xFFFFF086  }
0x1c: {  	p1 =	slt.u32 s9, $0xF7A;
	s5 =	simm.s32 @!p2 $0x0  }
0x1d: {  	s5 =	simm.s32 @p1 $0x1;
	p0 =	seq.s32 s7, s2  }
0x1e: {  	s7 =	smul.u32 @!p0 $0xF7A, s2;
	p2 =	seq.s32 @!p0 s5, $0x0  }
0x1f: {  	s9 =	smul.u32 $0xF7A, s1;
	s8 =	simm.s32 @!p0 $0x1BF5;
	p2 =	por !p2, p0  }
0x20: {  	[sflag:s8] =	ssyncset.s32 @!p0 $0xFFFFF086;
	s6 =	sadd.s32 @!p0 s3, s7;
	s7 =	simm.s32 @!p0 $0x108  }
0x21: {  	s3 =	sadd.s32 s3, s9;
	s6 =	sadd.s32 @!p0 $0x88, s6;
	s7 =	simm.s32 @p2 $0x1082  }
0x22: {  	[simem:s7], [sflag:s8] =	dma.local @!p0 [hbm:s6], $0xF7A  }
0x23: {  	s9 =	sor.u32 $0xD0000000, s2;
	s6 =	simm.s32 $0x108;
	_ =	swait.ge @!p0 [sflag:s8], $0x0  }
0x24: {  	s3 =	sadd.s32 $0x88, s3;
	s6 =	simm.s32 @!p1 $0x1082;
	[sflag:s4] =	ssyncset.s32 $0xFFFFF086  }
0x25: {  	[simem:s6], [sflag:s4] =	dma.local [hbm:s3], $0xF7A  }
0x26: {  	[smem:$0x3FA0] =	sst s1;
	(tag) =	ssettag s2;
	_ =	strace s9  }
0x27: {  	s1 =	sld [smem:$0x3FB0]  }
0x28: {  	s2 =	sld [smem:$0x3FB1]  }
0x29: {  	s4 =	sld [smem:$0x3FB3]  }
0x2a: {  	p0 =	seq.s32 s5, $0x0;
	s5 =	sld [smem:$0x3FB4]  }
0x2b: {  	s6 =	sld [smem:$0x3FB5]  }
0x2c: {  	s7 =	sld [smem:$0x3FB6]  }
0x2d: {  	s3 =	simm.s32 $0x108;
	s8 =	sld [smem:$0x3FB7]  }
0x2e: {  	s3 =	simm.s32 @!p0 $0x1082;
	s9 =	sld [smem:$0x3FB8]  }
0x2f: {  	lr =	sadd.s32 s0, s3;
	s0 =	sld [smem:$0x3FAF]  }
0x30: {  	s3 =	sld [smem:$0x3FB2]  }
0x31: {  	[smem:$0x3FBB] =	sst s10  }
0x32: {  	s10 =	sld [smem:$0x3FB9];
	_ =	sdelay $0x3  }
0x33: {  	p0 =	seq.s32 s10, $0x1;
	s10 =	sld [smem:$0x3FBB];
	_ =	sdelay $0x3  }
0x34: {  	[smem:$0x3FBB] =	sst s10  }
0x35: {  	s10 =	sld [smem:$0x3FBA];
	_ =	sdelay $0x3  }
0x36: {  	p1 =	seq.s32 s10, $0x1;
	s10 =	sld [smem:$0x3FBB];
	_ =	sdelay $0x3  }
0x37: {  	[smem:$0x3FBB] =	sst s10  }
0x38: {  	s10 =	sld [smem:$0x3FBC]  }
0x39: {  	_ = 	snop;
	(pc) =	sbr.ind lr, $3  }
0x3a: {  	_ = 	snop  }
0x3b: {  	_ = 	snop  }
0x3c: {  	p2 =	seq.s32 s10, $0x1;
	s10 =	sld [smem:$0x3FBB]  }
0x3d: {  	_ =	shalt  }
0x3e: {  	_ =	shalt  }
0x3f: {  	_ =	shalt  }
0x40: {  	_ =	shalt  }
0x41: {  	_ =	shalt  }
0x42: {  	_ =	shalt  }
0x43: {  	_ =	shalt  }
0x44: {  	_ =	shalt  }
0x45: {  	_ =	shalt  }
0x46: {  	_ =	shalt  }
0x47: {  	_ =	shalt  }
0x48: {  	_ =	shalt  }
0x49: {  	_ =	shalt  }
0x4a: {  	_ =	shalt  }
0x4b: {  	_ =	shalt  }
0x4c: {  	_ =	shalt  }
0x4d: {  	_ =	shalt  }
0x4e: {  	_ =	shalt  }
0x4f: {  	_ =	shalt  }
0x50: {  	_ =	shalt  }
0x51: {  	_ =	shalt  }
0x52: {  	_ =	shalt  }
0x53: {  	_ =	shalt  }
0x54: {  	_ =	shalt  }
0x55: {  	_ =	shalt  }
0x56: {  	_ =	shalt  }
0x57: {  	_ =	shalt  }
0x58: {  	_ =	shalt  }
0x59: {  	_ =	shalt  }
0x5a: {  	_ =	shalt  }
0x5b: {  	_ =	shalt  }
0x5c: {  	_ =	shalt  }
0x5d: {  	_ =	shalt  }
0x5e: {  	_ =	shalt  }
0x5f: {  	_ =	shalt  }
0x60: {  	_ =	shalt  }
0x61: {  	_ =	shalt  }
0x62: {  	_ =	shalt  }
0x63: {  	_ =	shalt  }
0x64: {  	_ =	shalt  }
0x65: {  	_ =	shalt  }
0x66: {  	_ =	shalt  }
0x67: {  	_ =	shalt  }
0x68: {  	_ =	shalt  }
0x69: {  	_ =	shalt  }
0x6a: {  	_ =	shalt  }
0x6b: {  	_ =	shalt  }
0x6c: {  	_ =	shalt  }
0x6d: {  	_ =	shalt  }
0x6e: {  	_ =	shalt  }
0x6f: {  	_ =	shalt  }
0x70: {  	_ =	shalt  }
0x71: {  	_ =	shalt  }
0x72: {  	_ =	shalt  }
0x73: {  	_ =	shalt  }
0x74: {  	_ =	shalt  }
0x75: {  	_ =	shalt  }
0x76: {  	_ =	shalt  }
0x77: {  	_ =	shalt  }
0x78: {  	_ =	shalt  }
0x79: {  	_ =	shalt  }
0x7a: {  	_ =	shalt  }
0x7b: {  	_ =	shalt  }
0x7c: {  	_ =	shalt  }
0x7d: {  	_ =	shalt  }
0x7e: {  	_ =	shalt  }
0x7f: {  	_ =	shalt  }
0x80: {  	_ =	shalt  }
0x81: {  	_ =	shalt  }
0x82: {  	_ =	shalt  }
0x83: {  	_ =	shalt  }
0x84: {  	_ =	shalt  }
0x85: {  	_ =	shalt  }
0x86: {  	_ =	shalt  }
0x87: {  	_ =	shalt  }
.Lfunc_end0:
.L_simem_size_0:
called_computation_lowered:
.L_overlay_start_0:
0x88: {  	s2 =	sld [smem:$0x3FD9]  }
0x89: {  	s3 =	sld [smem:$0x3FFE];
	_ =	sdelay $0x1  }
0x8a: {  	s1 =	srdreg.scid  }
0x8b: {  	s0 =	sand.u32 $0x1, s1  }
0x8c: {  	s17 =	sshll.u32 s0, $0xA;
	s2 =	sadd.s32 s3, s2  }
0x8d: {  	s2 =	sadd.s32 s2, s17  }
0x8e: {  	[smem:$0x3FC7] =	sst s2  }
0x8f: {  	_ = 	snop  }
0x90: {  	s2 =	sld [smem:$0x3FD0];
	(tm) =	ssettm $0x1  }
0x91: {  	s18 =	sld [smem:$0x3FFB];
	_ =	sdelay $0x3  }
0x92: {  	_ =	strace s18  }
0x93: {  	s3 =	sld [smem:$0x3FFC];
	_ =	sdelay $0x3  }
0x94: {  	_ =	strace s3  }
0x95: {  	s3 =	sld [smem:$0x3FFD];
	_ =	sdelay $0x3  }
0x96: {  	_ =	strace s3  }
0x97: {  	_ =	strace $0x8FFFFFFF  }
0x98: {  	s19 =	sld [smem:$0x3FDB];
	_ =	sdelay $0x1  }
0x99: {  	s4 =	simm.s32 $_scs_section_size  }
0x9a: {  	s5 =	simm.s32 $_size__tile_overlayer_lowered;
	s6 =	simm.s32 $_tile_overlayer_lowered  }
0x9b: {  	s22 =	simm.s32 $0x1BFF;
	s21 =	sshll.u32 s6, $0x1;
	s3 =	sadd.s32 s4, s19  }
0x9c: {  	s7 =	simm.s32 $0x0;
	s20 =	sshll.u32 s5, $0x1;
	s5 =	sadd.s32 s21, s3  }
0x9d: {  	[timem:s7], [sflag:s22] =	dma.local [hbm:s5], s20  }
0x9e: {  	_ =	swait.ge [sflag:s22], s20  }
0x9f: {  	s4 =	ssub.s32 $0x0, s20;
	[sflag:s22] =	ssyncset.done $0x0  }
0xa0: {  	[sflag:s22] =	ssyncadd.s32 s4;
	_ =	sdelay $0x1  }
0xa1: {  	s23 =	simm.s32 $0x1B8B  }
0xa2: {  	_ =	swait.ge [sflag:s23], $0x1  }
0xa3: {  	[sflag:s23] =	ssyncset.done $0x0  }
0xa4: {  	s25 =	simm.s32 $0x1B8E;
	s24 =	sld [smem:$0x3FFE];
	[sflag:s23] =	ssyncadd.s32 $0xFFFFFFFF  }
0xa5: {  	s26 =	simm.s32 $execute0_lowered;
	[smem:$0x3FD2] =	sst s25  }
0xa6: {  	s5 =	sshll.u32 s26, $0x1;
	_ =	strace $0x80000046;
	[dreg:$0x1] =	wrdreg $0xFFFFFFFF  }
0xa7: {  	s28 =	simm.s32 $_size_execute0_lowered;
	s3 =	sadd.s32 s3, s5;
	[dreg:$0x0] =	wrdreg $0x0  }
0xa8: {  	s5 =	sshll.u32 s28, $0x1;
	[dreg:$0x2] =	wrdreg s3  }
0xa9: {  	[dreg:$0x3] =	wrdreg s5  }
0xaa: {  	[dreg:$0x4] =	wrdreg $0xC0  }
0xab: {  	_ =	task [dreg:s7], $0x5FFFF  }
0xac: {  	[dreg:$0x1] =	wrdreg $0xFFFFFFFF  }
0xad: {  	[dreg:$0x0] =	wrdreg $0x60  }
0xae: {  	[dreg:$0x2] =	wrdreg s2  }
0xaf: {  	[dreg:$0x3] =	wrdreg s24  }
0xb0: {  	[dreg:$0x4] =	wrdreg $0x9  }
0xb1: {  	_ =	task.clear_ibuf [dreg:s7], $0x5FFFF;
	_ =	strace $0x90000046  }
0xb2: {  	s29 =	simm.s32 $0x9;
	_ =	strace $0x80000048  }
0xb3: {  	_ =	swait.ge [sflag:s29], $0x1  }
0xb4: {  	[sflag:s29] =	ssyncadd.s32 $0xFFFFFFFF  }
0xb5: {  	_ =	strace $0x90000048  }
0xb6: {  	_ =	sfence  }
0xb7: {  	s30 =	sld [smem:$0x0];
	_ =	sdelay $0x2  }
0xb8: {  	s31 =	sshll.u32 s1, $0xD;
	s1 =	sshrl.u32 s1, $0x2  }
0xb9: {  	s3 =	sand.u32 $0x4000, s31;
	s1 =	sadd.s32 s1, s30  }
0xba: {  	s0 =	sor.u32 s3, s0;
	s1 =	sshll.u32 s1, $0x11  }
0xbb: {  	s0 =	sor.u32 s1, s0  }
0xbc: {  	s0 =	sadd.s32 $0x8F2B, s0  }
0xbd: {  	[sflag:s0] =	ssyncadd.remote.s32 $0x1  }
0xbe: {  	_ =	sfence.sel $0xFFFF  }
0xbf: {  	[dreg:$0x0] =	wrdreg $0xFFFFFFFF;
	(pc) =	sbr.abs _section_cstart, $3  }
0xc0: {  	[dreg:$0x1] =	wrdreg $0xFFFFFFFF  }
0xc1: {  	_ =	task.clear_ibuf [dreg:s7], $0x2FFFF;
	_ =	strace $0x9FFFFFFF  }
0xc2: {  	(tm) =	ssettm $0x7FFFFFFF  }
0xc3: {  	_ =	shalt  }
tec
execute0_lowered:
.L_overlay_start_1:
0x0: {  	(tag) =	ssettag $0x1  }
0x1: {  	s0 =	rddreg [dreg:$0x0]  }
0x2: {  	s1 =	rddreg [dreg:$0x1]  }
0x3: {  	s2 =	srdreg.scid;
	s5 =	stileid.u32;
	s28 =	simm.s32 $0xA900  }
0x4: {  	s29 =	simm.s32 $0xAB00;
	s30 =	simm.s32 $0x0;
	s3 =	sand.u32 $0x1, s2  }
0x5: {  	s4 =	sshll.u32 s5, $0x1;
	s5 =	sshrl.u32 s5, $0x2;
	s2 =	simm.s32 $0x0  }
0x6: {  	s1 =	sadd.s32 $0x800, s1;
	s4 =	sor.u32 s3, s4;
	s6 =	sshll.u32 s5, $0x3  }
0x7: {  	[smem:$0x7FF] =	sst s2;
	s3 =	ssub.s32 $0x2, s3;
	s9 =	sshll.u32 s5, $0x12  }
0x8: {  	s5 =	smul.u32 $0x9000, s5;
	s7 =	ssub.s32 s4, s6;
	_ =	strace $0x80000047  }
0x9: {  	p0 =	seq.s32 s4, s6;
	s16 =	sshrl.u32 s3, $0x1;
	s8 =	sshll.u32 s7, $0xF  }
0xa: {  	s15 =	ssub.s32 s3, s16;
	s16 =	simm.s32 $0x1;
	s4 =	sadd.s32 $0xFFFFFE00, s8  }
0xb: {  	s10 =	sadd.s32 $0x8000, s8;
	s18 =	sadd.s32 s9, s8;
	s15 =	smax.u32 s15, $0x1  }
0xc: {  	s4 =	simm.s32 @p0 $0x200;
	p0 =	seq.s32 s7, $0x7;
	s7 =	sshll.u32 s7, $0x9  }
0xd: {  	s4 =	sadd.s32 s9, s4;
	s10 =	simm.s32 @p0 $0x3FC00;
	s12 =	sadd.s32 s5, s7  }
0xe: {  	s17 =	sshrl.u32 s4, $0x3;
	s4 =	sshrl.u32 s18, $0x3;
	s19 =	sadd.s32 s9, s10  }
0xf: {  	s20 =	sadd.s32 $0x1000, s12;
	s21 =	sadd.s32 $0x2000, s12;
	s7 =	sshrl.u32 s12, $0x3  }
0x10: {  	s23 =	sadd.s32 $0x3000, s12;
	s24 =	sadd.s32 $0x4000, s12;
	s25 =	sadd.s32 $0x5000, s12  }
0x11: {  	s26 =	sadd.s32 $0x6000, s12;
	s31 =	sadd.s32 $0x7000, s12;
	s12 =	sadd.s32 $0x8000, s12  }
0x12: {  	s3 =	sadd.s32 s0, s17;
	s4 =	sadd.s32 s0, s4;
	s6 =	sshrl.u32 s19, $0x3  }
0x13: {  	s22 =	sshrl.u32 s21, $0x3;
	s11 =	sshrl.u32 s24, $0x3;
	s13 =	sshrl.u32 s25, $0x3  }
0x14: {  	v0 =	vlaneseq.u32;
	s14 =	sshrl.u32 s12, $0x3;
	s19 =	simm.s32 $0x8900;
	s25 =	simm.s32 $0xA500  }
0x15: {  	v1 =	vimm.f32 $0.0e+00;
	v2 =	vmul.u32 $0x8, v0;
	s5 =	sadd.s32 s0, s6;
	s0 =	sshrl.u32 s20, $0x3;
	s6 =	sadd.s32 s1, s7  }
0x16: {  	vm0 =	vmmov $0x1;
	v3 =	vimm.s32 $0x0;
	vm2 =	vcmask $0x300;
	s8 =	sadd.s32 s1, s22;
	s10 =	sadd.s32 s1, s11;
	s11 =	sadd.s32 s1, s13  }
0x17: {  	vm1 =	vcmask $0xF0C;
	v4 =	vsel vm2, $0x7, v3;
	v5 =	vor.u32 $0x1, v2;
	s13 =	sshrl.u32 s31, $0x3;
	s7 =	sadd.s32 s1, s0;
	s0 =	sshrl.u32 s23, $0x3  }
0x18: {  	v6 =	vor.u32 $0x2, v2;
	v7 =	vor.u32 $0x3, v2;
	v8 =	vor.u32 $0x4, v2;
	s14 =	sadd.s32 s1, s14;
	s9 =	sadd.s32 s1, s0;
	s0 =	sshrl.u32 s26, $0x3  }
0x19: {  	v9 =	vor.u32 $0x5, v2;
	v10 =	vor.u32 $0x6, v2;
	v11 =	vor.u32 $0x7, v2;
	s13 =	sadd.s32 s1, s13;
	s26 =	simm.s32 $0xA700;
	s12 =	sadd.s32 s1, s0  }
.LBB2_1:
0x1a: {  	[tilespmem:s2], [sflag:$0x1] =	stream.linear.gather [hbm4b:s3+s2], $0x200, $0x38;
	[tilespmem:$0xAD00] =	vst v63  }
0x1b: {  	_ =	swait.ge [sflag:s16], $0x200  }
0x1c: {  	[sflag:s16] =	ssyncset.done $0x0  }
0x1d: {  	s0 =	simm.s32 $0x200;
	[sflag:s16] =	ssyncadd.s32 $0xFFFFFE00  }
0x1e: {  	[tilespmem:s0], [sflag:$0x1] =	stream.linear.gather [hbm4b:s4+s2], $0x8000, $0x38;
	[tilespmem:$0xAD00] =	vst v63  }
0x1f: {  	_ =	swait.ge [sflag:s16], $0x8000  }
0x20: {  	[sflag:s16] =	ssyncset.done $0x0  }
0x21: {  	s31 =	simm.s32 $0x8200;
	[sflag:s16] =	ssyncadd.s32 $0xFFFF8000  }
0x22: {  	[tilespmem:s31], [sflag:$0x1] =	stream.linear.gather [hbm4b:s5+s2], $0x200, $0x38;
	[tilespmem:$0xAD00] =	vst v63  }
0x23: {  	_ =	swait.ge [sflag:s16], $0x200  }
0x24: {  	[sflag:s16] =	ssyncset.done $0x0  }
0x25: {  	s0 =	simm.s32 $0x20;
	[sflag:s16] =	ssyncadd.s32 $0xFFFFFE00  }
0x26: {  	v13 =	vld [tilespmem:s0+$0x10]  }
0x27: {  	v14 =	vld [tilespmem:s0+$0xFFFFFFF0]  }
0x28: {  	v16 =	vld [tilespmem:s0+$0x0]  }
0x29: {  	v17 =	vld [tilespmem:s0+$0xFFFFFFE0];
	_ =	sdelay $0x2  }
0x2a: {  	v12 =	vshrl.u32 v13, $0x10  }
0x2b: {  	v15 =	vshrl.u32 v14, $0x10;
	v20 =	vshrl.u32 v16, $0x10;
	v18 =	vand.u32 $0x1, v12  }
0x2c: {  	s1 =	simm.s32 $0x60;
	v19 =	vand.u32 $0x1, v15;
	v13 =	vadd.s32 v18, v13;
	v18 =	vshrl.u32 v17, $0x10  }
0x2d: {  	v12 =	vld [tilespmem:s1+$0x10];
	v14 =	vadd.s32 v19, v14;
	v13 =	vadd.s32 $0x7FFF, v13;
	v18 =	vand.u32 $0x1, v18  }
0x2e: {  	v15 =	vld [tilespmem:s1+$0xFFFFFFF0];
	v14 =	vadd.s32 $0x7FFF, v14;
	v13 =	vand.u32 $0xFFFF0000, v13;
	v17 =	vadd.s32 v18, v17  }
0x2f: {  	v20 =	vand.u32 $0x1, v20;
	[tilespmem:s0+$0x10] =	vst v13;
	v13 =	vadd.s32 $0x7FFF, v17;
	v17 =	vand.u32 $0xFFFF0000, v14;
	v14 =	vld [tilespmem:s1+$0x0]  }
0x30: {  	v16 =	vadd.s32 v20, v16;
	v20 =	vand.u32 $0xFFFF0000, v13;
	v13 =	vld [tilespmem:s1+$0xFFFFFFE0];
	_ =	sdelay $0x1  }
0x31: {  	v16 =	vadd.s32 $0x7FFF, v16;
	v19 =	vshrl.u32 v12, $0x10;
	[tilespmem:s0+$0xFFFFFFF0] =	vst v17  }
0x32: {  	s17 =	simm.s32 $0x4;
	s18 =	simm.s32 $0xA0;
	v16 =	vand.u32 $0xFFFF0000, v16;
	v18 =	vshrl.u32 v15, $0x10;
	v17 =	vand.u32 $0x1, v19;
	[tilespmem:s0+$0xFFFFFFE0] =	vst v20  }
.LBB2_2:
0x33: {  	s17 =	sadd.s32 $0x4, s17;
	v18 =	vand.u32 $0x1, v18;
	v19 =	vshrl.u32 v14, $0x10;
	v17 =	vadd.s32 v17, v12;
	v12 =	vld [tilespmem:s18+$0x10];
	[tilespmem:s0+$0x0] =	vst v16;
	v16 =	vmovc v14;
	s0 =	smov.u32 s1;
	s1 =	smov.u32 s18  }
0x34: {  	v20 =	vld [tilespmem:s18+$0xFFFFFFF0];
	p0 =	slt.u32 s17, $0x83C;
	v21 =	vshrl.u32 v13, $0x10;
	v19 =	vand.u32 $0x1, v19;
	v17 =	vadd.s32 $0x7FFF, v17  }
.Ltmp0:
0x35: {  	v15 =	vadd.s32 v18, v15;
	v14 =	vld [tilespmem:s18+$0x0];
	v21 =	vand.u32 $0x1, v21;
	v17 =	vand.u32 $0xFFFF0000, v17;
	(pc) =	sbr.rel @p0 .LBB2_2-.Ltmp0, $4  }
0x36: {  	v15 =	vadd.s32 $0x7FFF, v15;
	v16 =	vadd.s32 v19, v16;
	v18 =	vadd.s32 v21, v13;
	v13 =	vld [tilespmem:s18+$0xFFFFFFE0];
	[tilespmem:s0+$0x10] =	vst v17  }
0x37: {  	v22 =	vand.u32 $0xFFFF0000, v15;
	v16 =	vadd.s32 $0x7FFF, v16;
	v17 =	vadd.s32 $0x7FFF, v18  }
0x38: {  	v16 =	vand.u32 $0xFFFF0000, v16;
	v19 =	vshrl.u32 v12, $0x10;
	v21 =	vand.u32 $0xFFFF0000, v17;
	[tilespmem:s0+$0xFFFFFFF0] =	vst v22  }
0x39: {  	s18 =	sadd.s32 $0x40, s18;
	v18 =	vshrl.u32 v20, $0x10;
	v17 =	vand.u32 $0x1, v19;
	[tilespmem:s0+$0xFFFFFFE0] =	vst v21;
	v15 =	vmov v20  }
0x3a: {  	v18 =	vand.u32 $0x1, v18;
	v19 =	vshrl.u32 v14, $0x10  }
0x3b: {  	v12 =	vadd.s32 v17, v12;
	v58 =	vshrl.u32 v13, $0x10;
	v19 =	vand.u32 $0x1, v19  }
0x3c: {  	v12 =	vadd.s32 $0x7FFF, v12;
	v15 =	vadd.s32 v18, v15;
	v17 =	vand.u32 $0x1, v58  }
0x3d: {  	[tilespmem:s0+$0x0] =	vst v16;
	v12 =	vand.u32 $0xFFFF0000, v12;
	v15 =	vadd.s32 $0x7FFF, v15;
	v60 =	vadd.s32 v19, v14  }
0x3e: {  	v59 =	vadd.s32 v17, v13;
	[tilespmem:s1+$0x10] =	vst v12;
	v62 =	vand.u32 $0xFFFF0000, v15;
	v14 =	vadd.s32 $0x7FFF, v60  }
0x3f: {  	v61 =	vadd.s32 $0x7FFF, v59;
	[tilespmem:s1+$0xFFFFFFF0] =	vst v62;
	v63 =	vand.u32 $0xFFFF0000, v14  }
0x40: {  	v12 =	vand.u32 $0xFFFF0000, v61;
	[tilespmem:s1+$0x0] =	vst v63  }
0x41: {  	s31 =	simm.s32 $0x0;
	s0 =	simm.s32 $0x240;
	[tilespmem:s1+$0xFFFFFFE0] =	vst v12  }
.LBB2_4:
0x42: {  	s1 =	simm.s32 $0x8940  }
0x43: {  	[tilespmem:s1+$0xFFFFFFC0] =	vst v1  }
0x44: {  	[tilespmem:s1+$0x30] =	vst v1  }
0x45: {  	[tilespmem:s1+$0x20] =	vst v1  }
0x46: {  	[tilespmem:s1+$0x10] =	vst v1  }
0x47: {  	[tilespmem:s1+$0x0] =	vst v1  }
0x48: {  	[tilespmem:s1+$0xFFFFFFF0] =	vst v1  }
0x49: {  	s17 =	simm.s32 $0x0;
	[tilespmem:s1+$0xFFFFFFE0] =	vst v1  }
.LBB2_5:
0x4a: {  	s17 =	sadd.s32 $0x8, s17;
	[tilespmem:s1+$0xFFFFFFD0] =	vst v1;
	s1 =	sadd.s32 $0x80, s1  }
0x4b: {  	[tilespmem:s1+$0xFFFFFFC0] =	vst v1;
	p0 =	slt.u32 s17, $0x118  }
0x4c: {  	[tilespmem:s1+$0x30] =	vst v1  }
.Ltmp1:
0x4d: {  	[tilespmem:s1+$0x20] =	vst v1;
	(pc) =	sbr.rel @p0 .LBB2_5-.Ltmp1, $4  }
0x4e: {  	[tilespmem:s1+$0x10] =	vst v1  }
0x4f: {  	[tilespmem:s1+$0x0] =	vst v1  }
0x50: {  	[tilespmem:s1+$0xFFFFFFF0] =	vst v1  }
0x51: {  	[tilespmem:s1+$0xFFFFFFE0] =	vst v1  }
0x52: {  	[tilespmem:s1+$0xFFFFFFD0] =	vst v1;
	s1 =	simm.s32 $0x0;
	s17 =	smov.u32 s0  }
.LBB2_7:
0x53: {  	v12 =	vld [tilespmem:s17+$0x30]  }
0x54: {  	v13 =	vld [tilespmem:s17+$0xFFFFFFC0]  }
0x55: {  	v18 =	vld [tilespmem:s17+$0xFFFFFE30]  }
0x56: {  	v19 =	vld [tilespmem:s17+$0xFFFFFFD0]  }
0x57: {  	v20 =	vld [tilespmem:s17+$0x230]  }
0x58: {  	v21 =	vld [tilespmem:s17+$0xFFFFFFE0]  }
0x59: {  	v22 =	vld [tilespmem:s17+$0xFFFFFFF0]  }
0x5a: {  	v23 =	vld [tilespmem:s17+$0x0]  }
0x5b: {  	v24 =	vld [tilespmem:s17+$0x10]  }
0x5c: {  	v25 =	vld [tilespmem:s17+$0x20]  }
0x5d: {  	v17 =	vld [tilespmem:s17+$0xFFFFFDD0]  }
0x5e: {  	v16 =	vld [tilespmem:s17+$0xFFFFFDE0]  }
0x5f: {  	v15 =	vld [tilespmem:s17+$0xFFFFFDF0]  }
0x60: {  	v32 =	vld [tilespmem:s17+$0xFFFFFDC0];
	v12 =	vadd.f32 v12, v12  }
0x61: {  	v14 =	vld [tilespmem:s17+$0xFFFFFE00];
	v29 =	vadd.f32 v13, v13;
	v19 =	vadd.f32 v19, v19  }
0x62: {  	v28 =	vld [tilespmem:s17+$0x1D0];
	v21 =	vadd.f32 v21, v21;
	v12 =	vadd.f32 v12, v18  }
0x63: {  	v13 =	vld [tilespmem:s17+$0xFFFFFE10];
	v31 =	vsub.f32 v18, v20;
	v18 =	vadd.f32 v22, v22  }
0x64: {  	v33 =	vadd.f32 v19, v17;
	v30 =	vadd.f32 v12, v20;
	v12 =	vld [tilespmem:s17+$0xFFFFFE20]  }
0x65: {  	v22 =	vld [tilespmem:s17+$0x1C0];
	v34 =	vadd.f32 v29, v32;
	v20 =	vadd.f32 v23, v23  }
0x66: {  	v27 =	vld [tilespmem:s17+$0x1E0];
	v23 =	vadd.f32 v24, v24;
	v24 =	vadd.f32 v25, v25  }
0x67: {  	v26 =	vld [tilespmem:s17+$0x1F0];
	v25 =	vadd.f32 v21, v16;
	v21 =	vadd.f32 v18, v15  }
0x68: {  	s18 =	simm.s32 $0x8441;
	v20 =	vadd.f32 v20, v14;
	v18 =	vadd.f32 v23, v13;
	v23 =	vld [tilespmem:s17+$0x200]  }
0x69: {  	s20 =	simm.s32 $0x86C1;
	s23 =	simm.s32 $0x0;
	[tilespmem:s18+$0x30] =	vst v30;
	v30 =	vadd.f32 v33, v28;
	v19 =	vadd.f32 v24, v12;
	v24 =	vld [tilespmem:s17+$0x210]  }
0x6a: {  	s24 =	sadd.s32 $0x80, s17;
	s21 =	simm.s32 $0x8441;
	s22 =	simm.s32 $0x86C1;
	v29 =	vsub.f32 v32, v22;
	[tilespmem:s20+$0x30] =	vst v31;
	v31 =	vadd.f32 v34, v22;
	v22 =	vld [tilespmem:s17+$0x220]  }
.LBB2_8:
0x6b: {  	v32 =	vld [tilespmem:s24+$0x30];
	v17 =	vsub.f32 v17, v28;
	v25 =	vadd.f32 v25, v27  }
0x6c: {  	s23 =	sadd.s32 $0x8, s23;
	v16 =	vsub.f32 v16, v27;
	v28 =	vld [tilespmem:s24+$0xFFFFFFC0];
	[tilespmem:s18+$0xFFFFFFC0] =	vst v31;
	v21 =	vadd.f32 v21, v26  }
0x6d: {  	p0 =	slt.u32 s23, $0x18;
	v15 =	vsub.f32 v15, v26;
	v27 =	vld [tilespmem:s24+$0xFFFFFE30];
	[tilespmem:s20+$0xFFFFFFC0] =	vst v29;
	v20 =	vadd.f32 v20, v23  }
0x6e: {  	v14 =	vsub.f32 v14, v23;
	v26 =	vld [tilespmem:s24+$0xFFFFFFD0];
	[tilespmem:s18+$0xFFFFFFD0] =	vst v30;
	v18 =	vadd.f32 v18, v24  }
0x6f: {  	v24 =	vsub.f32 v13, v24;
	v23 =	vld [tilespmem:s24+$0x230];
	[tilespmem:s20+$0xFFFFFFD0] =	vst v17;
	v19 =	vadd.f32 v19, v22  }
0x70: {  	v22 =	vsub.f32 v12, v22;
	v13 =	vld [tilespmem:s24+$0xFFFFFFE0];
	v17 =	vadd.f32 v32, v32;
	[tilespmem:s18+$0xFFFFFFE0] =	vst v25  }
0x71: {  	v29 =	vadd.f32 v28, v28;
	v12 =	vld [tilespmem:s24+$0xFFFFFFF0];
	[tilespmem:s20+$0xFFFFFFE0] =	vst v16  }
0x72: {  	v25 =	vld [tilespmem:s24+$0x0];
	v16 =	vadd.f32 v17, v27;
	[tilespmem:s18+$0xFFFFFFF0] =	vst v21  }
0x73: {  	v21 =	vadd.f32 v26, v26;
	v26 =	vld [tilespmem:s24+$0x10];
	[tilespmem:s20+$0xFFFFFFF0] =	vst v15  }
0x74: {  	v28 =	vld [tilespmem:s24+$0x20];
	v15 =	vadd.f32 v16, v23;
	[tilespmem:s18+$0x0] =	vst v20  }
0x75: {  	s18 =	sadd.s32 $0x80, s18;
	v17 =	vld [tilespmem:s24+$0xFFFFFDD0];
	v20 =	vadd.f32 v13, v13;
	v13 =	vsub.f32 v27, v23;
	[tilespmem:s20+$0x0] =	vst v14  }
0x76: {  	s20 =	sadd.s32 $0x80, s20;
	v16 =	vld [tilespmem:s24+$0xFFFFFDE0];
	v23 =	vadd.f32 v12, v12;
	[tilespmem:s18+$0x30] =	vst v15  }
0x77: {  	v15 =	vld [tilespmem:s24+$0xFFFFFDF0];
	v27 =	vadd.f32 v25, v25;
	[tilespmem:s20+$0x30] =	vst v13  }
0x78: {  	v14 =	vld [tilespmem:s24+$0xFFFFFE00];
	v26 =	vadd.f32 v26, v26;
	[tilespmem:s21+$0x10] =	vst v18  }
0x79: {  	v13 =	vld [tilespmem:s24+$0xFFFFFE10];
	v30 =	vadd.f32 v28, v28;
	[tilespmem:s22+$0x10] =	vst v24  }
0x7a: {  	v32 =	vadd.f32 v21, v17;
	v12 =	vld [tilespmem:s24+$0xFFFFFE20];
	[tilespmem:s21+$0x20] =	vst v19;
	s21 =	smov.u32 s18  }
0x7b: {  	v24 =	vld [tilespmem:s24+$0xFFFFFDC0];
	v25 =	vadd.f32 v20, v16;
	[tilespmem:s22+$0x20] =	vst v22;
	s22 =	smov.u32 s20  }
0x7c: {  	v22 =	vld [tilespmem:s24+$0x1C0];
	v21 =	vadd.f32 v23, v15  }
0x7d: {  	v28 =	vld [tilespmem:s24+$0x1D0];
	v20 =	vadd.f32 v27, v14  }
.Ltmp2:
0x7e: {  	v27 =	vld [tilespmem:s24+$0x1E0];
	v18 =	vadd.f32 v26, v13;
	(pc) =	sbr.rel @p0 .LBB2_8-.Ltmp2, $4  }
0x7f: {  	v26 =	vld [tilespmem:s24+$0x1F0];
	v19 =	vadd.f32 v30, v12  }
0x80: {  	v30 =	vadd.f32 v29, v24;
	v23 =	vld [tilespmem:s24+$0x200]  }
0x81: {  	v29 =	vsub.f32 v24, v22;
	v24 =	vld [tilespmem:s24+$0x210]  }
0x82: {  	v31 =	vadd.f32 v30, v22;
	v30 =	vadd.f32 v32, v28;
	v22 =	vld [tilespmem:s24+$0x220];
	s24 =	sadd.s32 $0x80, s24  }
0x83: {  	_ = 	snop  }
0x84: {  	[tilespmem:s18+$0xFFFFFFC0] =	vst v31  }
0x85: {  	v17 =	vsub.f32 v17, v28;
	[tilespmem:s18+$0xFFFFFFD0] =	vst v30  }
0x86: {  	v25 =	vadd.f32 v25, v27;
	[tilespmem:s20+$0xFFFFFFC0] =	vst v29  }
0x87: {  	v16 =	vsub.f32 v16, v27;
	[tilespmem:s20+$0xFFFFFFD0] =	vst v17  }
0x88: {  	v59 =	vadd.f32 v21, v26;
	[tilespmem:s18+$0xFFFFFFE0] =	vst v25  }
0x89: {  	v15 =	vsub.f32 v15, v26;
	[tilespmem:s20+$0xFFFFFFE0] =	vst v16  }
0x8a: {  	v60 =	vadd.f32 v20, v23;
	[tilespmem:s18+$0xFFFFFFF0] =	vst v59  }
0x8b: {  	v14 =	vsub.f32 v14, v23;
	[tilespmem:s20+$0xFFFFFFF0] =	vst v15  }
0x8c: {  	v15 =	vadd.f32 v18, v24;
	[tilespmem:s18+$0x0] =	vst v60  }
0x8d: {  	v13 =	vsub.f32 v13, v24;
	[tilespmem:s20+$0x0] =	vst v14  }
0x8e: {  	v14 =	vadd.f32 v19, v22;
	[tilespmem:s21+$0x10] =	vst v15  }
0x8f: {  	v12 =	vsub.f32 v12, v22;
	[tilespmem:s22+$0x10] =	vst v13  }
0x90: {  	[tilespmem:s21+$0x20] =	vst v14  }
0x91: {  	[tilespmem:s22+$0x20] =	vst v12  }
0x92: {  	v12 =	vld [tilespmem:$0x8400]  }
0x93: {  	v13 =	vld [tilespmem:$0x85FE]  }
0x94: {  	v14 =	vld [tilespmem:$0x8680]  }
0x95: {  	v15 =	vld [tilespmem:$0x887E];
	_ =	sdelay $0x1  }
0x96: {  	v61 =	vbroadcast v12, $0x2  }
0x97: {  	v62 =	vbroadcast v13, $0x1  }
0x98: {  	v63 =	vbroadcast v14, $0x2;
	v12 =	vsel vm0, v61, v12  }
0x99: {  	[tilespmem:$0x8400] =	vst v12;
	v12 =	vsel vm1, v62, v13;
	v13 =	vbroadcast v15, $0x1  }
0x9a: {  	[tilespmem:$0x85FE] =	vst v12;
	v12 =	vsel vm0, v63, v14  }
0x9b: {  	[tilespmem:$0x8680] =	vst v12;
	v12 =	vsel vm1, v13, v15  }
0x9c: {  	s21 =	simm.s32 $0x8402;
	[tilespmem:$0x887E] =	vst v12  }
0x9d: {  	v12 =	vld [tilespmem:s21+$0x0]  }
0x9e: {  	s20 =	simm.s32 $0x8681;
	v13 =	vld [tilespmem:s21+$0xFFFFFFFE]  }
0x9f: {  	s18 =	simm.s32 $0x0;
	s22 =	simm.s32 $0x10;
	v14 =	vld [tilespmem:s20+$0x0]  }
.LBB2_10:
0xa0: {  	p0 =	sne.s32 s22, $0x1F0  }
0xa1: {  	v15 =	vld [tilespmem:s20+$0xFFFFFFFF];
	_ =	sdelay $0x1  }
0xa2: {  	v12 =	vsub.f32 v13, v12;
	v13 =	vld [tilespmem:s20+$0x1]  }
0xa3: {  	v14 =	vadd.f32 v14, v14  }
0xa4: {  	v16 =	vand.u32 $0x7FFFFFFF, v12  }
0xa5: {  	v14 =	vadd.f32 v14, v15;
	(erf) = vrcp.f32 v16;
	_ =	sdelay $0x1  }
0xa6: {  	v13 =	vadd.f32 v14, v13;
	_ =	sdelay $0x1  }
0xa7: {  	v14 =	vmul.f32 v12, v12;
	v15 =	vmul.f32 v13, v13;
	_ =	sdelay $0x1  }
0xa8: {  	v14 =	vadd.f32 v15, v14;
	v15 =	vsub.f32 $0.0e+00, v13  }
0xa9: {  	vm2 =	vlt.f32 v12, $0.0e+00;
	v16 =	vand.u32 $0x7FFFFFFF, v13  }
0xaa: {  	vm3 =	vgt.f32 v12, $0.0e+00;
	v17 =	vmax.f32 v14, $1.000000000e-30;
	v12 =	vsel vm2, v15, v16  }
0xab: {  	v15 =	vshra.s32 v17, $0x1;
	v16 =	vmul.f32 $5.000000000e-01, v17;
	v12 =	vsel vm3, v13, v12;
	v13 =	vpop (erf)  }
0xac: {  	v15 =	vsub.s32 $0x5F3759DF, v15;
	v12 =	vmul.f32 v12, v13  }
0xad: {  	v13 =	vmul.f32 v15, v16  }
0xae: {  	vm2 =	vle.f32 v12, $1.763269750e-01;
	vm3 =	vle.f32 v12, $-5.773502590e-01;
	vm4 =	vle.f32 v12, $-2.747477530e+00  }
0xaf: {  	vm5 =	vle.f32 v12, $2.747477530e+00;
	vm6 =	vle.f32 v12, $1.191753630e+00;
	v13 =	vmul.f32 v15, v13  }
0xb0: {  	v17 =	vsel vm5, $0x1, v3;
	v18 =	vsel vm6, $0x1, v3;
	vm5 =	vle.f32 v12, $5.773502590e-01  }
0xb1: {  	v17 =	vadd.s32 v18, v17;
	v18 =	vsel vm5, $0x1, v3;
	v13 =	vsub.f32 $1.500000000e+00, v13  }
0xb2: {  	v17 =	vadd.s32 v18, v17;
	v18 =	vsel vm2, $0x1, v3;
	vm2 =	vle.f32 v12, $-1.763269750e-01  }
0xb3: {  	v13 =	vmul.f32 v15, v13;
	v15 =	vadd.s32 v18, v17;
	v17 =	vsel vm2, $0x1, v3  }
0xb4: {  	vm2 =	vle.f32 v12, $-1.191753630e+00;
	v15 =	vadd.s32 v17, v15;
	v17 =	vsel vm3, $0x1, v3  }
0xb5: {  	v12 =	vmul.f32 v13, v16;
	v15 =	vadd.s32 v17, v15;
	v16 =	vsel vm2, $0x1, v3  }
0xb6: {  	v15 =	vadd.s32 v16, v15;
	v16 =	vsel vm4, $0x1, v3  }
0xb7: {  	v12 =	vmul.f32 v12, v13;
	v15 =	vadd.s32 v16, v15  }
0xb8: {  	v15 =	vshll.u32 v15, $0x9  }
0xb9: {  	v12 =	vsub.f32 $1.500000000e+00, v12;
	v15 =	vadd.s32 s18, v15;
	s18 =	smov.u32 s22  }
0xba: {  	v15 =	vadd.s32 v0, v15  }
0xbb: {  	v12 =	vmul.f32 v12, v13;
	_ =	sdelay $0x1  }
0xbc: {  	v12 =	vmul.f32 v12, v14  }
.Ltmp3:
0xbd: {  	(pc) =	sbr.rel @p0 .LBB2_10-.Ltmp3, $4  }
0xbe: {  	s21 =	sadd.s32 $0x10, s21;
	[tilespmem:v15+s19+$0x0] =	vst.idx.add.f32.msk $0xffff, v12  }
0xbf: {  	v12 =	vld [tilespmem:s21+$0x0]  }
0xc0: {  	s20 =	sadd.s32 $0x10, s20;
	v13 =	vld [tilespmem:s21+$0xFFFFFFFE]  }
0xc1: {  	s22 =	sadd.s32 $0x10, s22;
	v14 =	vld [tilespmem:s20+$0x0]  }
0xc2: {  	_ = 	snop  }
0xc3: {  	v15 =	vld [tilespmem:s20+$0xFFFFFFFF];
	_ =	sdelay $0x1  }
0xc4: {  	v45 =	vld [tilespmem:s20+$0x1];
	v12 =	vsub.f32 v13, v12  }
0xc5: {  	v14 =	vadd.f32 v14, v14  }
0xc6: {  	v16 =	vand.u32 $0x7FFFFFFF, v12  }
0xc7: {  	v14 =	vadd.f32 v14, v15;
	(erf) = vrcp.f32 v16;
	_ =	sdelay $0x1  }
0xc8: {  	v13 =	vadd.f32 v14, v45;
	_ =	sdelay $0x1  }
0xc9: {  	v46 =	vmul.f32 v12, v12;
	v47 =	vmul.f32 v13, v13;
	_ =	sdelay $0x1  }
0xca: {  	v48 =	vsub.f32 $0.0e+00, v13;
	v14 =	vadd.f32 v47, v46  }
0xcb: {  	vm2 =	vlt.f32 v12, $0.0e+00;
	v49 =	vand.u32 $0x7FFFFFFF, v13  }
0xcc: {  	vm3 =	vgt.f32 v12, $0.0e+00;
	v50 =	vsel vm2, v48, v49;
	v17 =	vmax.f32 v14, $1.000000000e-30  }
0xcd: {  	v12 =	vsel vm3, v13, v50;
	v51 =	vshra.s32 v17, $0x1;
	v52 =	vmul.f32 $5.000000000e-01, v17;
	v53 =	vpop (erf)  }
0xce: {  	v15 =	vsub.s32 $0x5F3759DF, v51;
	v12 =	vmul.f32 v12, v53  }
0xcf: {  	v54 =	vmul.f32 v15, v52  }
0xd0: {  	vm2 =	vle.f32 v12, $1.763269750e-01;
	vm3 =	vle.f32 v12, $-5.773502590e-01;
	vm4 =	vle.f32 v12, $-2.747477530e+00  }
0xd1: {  	vm5 =	vle.f32 v12, $2.747477530e+00;
	vm6 =	vle.f32 v12, $1.191753630e+00;
	v13 =	vmul.f32 v15, v54  }
0xd2: {  	vm15 =	vle.f32 v12, $5.773502590e-01;
	v55 =	vsel vm5, $0x1, v3;
	v18 =	vsel vm6, $0x1, v3  }
0xd3: {  	v56 =	vsel vm15, $0x1, v3;
	v17 =	vadd.s32 v18, v55;
	v13 =	vsub.f32 $1.500000000e+00, v13  }
0xd4: {  	v57 =	vsel vm2, $0x1, v3;
	vm2 =	vle.f32 v12, $-1.763269750e-01;
	v17 =	vadd.s32 v56, v17  }
0xd5: {  	v59 =	vsel vm2, $0x1, v3;
	v58 =	vadd.s32 v57, v17;
	v13 =	vmul.f32 v15, v13  }
0xd6: {  	v60 =	vsel vm3, $0x1, v3;
	vm2 =	vle.f32 v12, $-1.191753630e+00;
	v15 =	vadd.s32 v59, v58  }
0xd7: {  	v62 =	vsel vm2, $0x1, v3;
	v15 =	vadd.s32 v60, v15;
	v61 =	vmul.f32 v13, v52  }
0xd8: {  	v63 =	vsel vm4, $0x1, v3;
	v15 =	vadd.s32 v62, v15  }
0xd9: {  	v15 =	vadd.s32 v63, v15;
	v12 =	vmul.f32 v61, v13  }
0xda: {  	v15 =	vshll.u32 v15, $0x9  }
0xdb: {  	s1 =	sadd.s32 $0x1, s1;
	v15 =	vadd.s32 s18, v15;
	v12 =	vsub.f32 $1.500000000e+00, v12  }
0xdc: {  	p0 =	sne.s32 s1, $0x8;
	v15 =	vadd.s32 v0, v15  }
.Ltmp4:
0xdd: {  	v12 =	vmul.f32 v12, v13;
	(pc) =	sbr.rel @p0 .LBB2_7-.Ltmp4, $3  }
0xde: {  	_ = 	snop  }
0xdf: {  	v12 =	vmul.f32 v12, v14;
	_ =	sdelay $0x1  }
0xe0: {  	s17 =	sadd.s32 $0x200, s17;
	[tilespmem:v15+s19+$0x0] =	vst.idx.add.f32.msk $0xffff, v12  }
0xe1: {  	s1 =	simm.s32 $0x0  }
0xe2: {  	v12 =	vmov s1  }
0xe3: {  	v12 =	vshrl.u32 v12, $0x7  }
0xe4: {  	v12 =	vshll.u32 v12, v4  }
0xe5: {  	v12 =	vbroadcast v12, $0x0;
	_ =	sdelay $0x1  }
0xe6: {  	v13 =	vor.u32 v2, v12  }
0xe7: {  	v14 =	vor.u32 v5, v12;
	_ =	sdelay $0x1  }
0xe8: {  	v15 =	vor.u32 v6, v12;
	_ =	sdelay $0x1  }
0xe9: {  	v16 =	vor.u32 v7, v12;
	v13 =	vld.idx.msk [tilespmem:v13+s19+$0x0], $0xffff  }
0xea: {  	v14 =	vld.idx.msk [tilespmem:v14+s19+$0x0], $0xffff  }
0xeb: {  	v17 =	vor.u32 v8, v12  }
0xec: {  	v15 =	vld.idx.msk [tilespmem:v15+s19+$0x0], $0xffff  }
0xed: {  	v18 =	vor.u32 v9, v12  }
0xee: {  	v16 =	vld.idx.msk [tilespmem:v16+s19+$0x0], $0xffff  }
0xef: {  	v19 =	vor.u32 v10, v12;
	v13 =	vadd.f32 v14, v13  }
0xf0: {  	s23 =	simm.s32 $0x80;
	v14 =	vld.idx.msk [tilespmem:v17+s19+$0x0], $0xffff  }
0xf1: {  	v17 =	vor.u32 v11, v12;
	v12 =	vmov s23;
	v13 =	vadd.f32 v15, v13  }
0xf2: {  	s24 =	simm.s32 $0x81;
	s23 =	simm.s32 $0x87;
	v12 =	vshrl.u32 v12, $0x7;
	v15 =	vld.idx.msk [tilespmem:v18+s19+$0x0], $0xffff  }
0xf3: {  	v21 =	vmov s23;
	v18 =	vmov s24;
	v13 =	vadd.f32 v16, v13  }
0xf4: {  	v19 =	vld.idx.msk [tilespmem:v19+s19+$0x0], $0xffff;
	v20 =	vshll.u32 v12, v4;
	v12 =	vimm.f32 $0.0e+00;
	v21 =	vshrl.u32 v21, $0x7;
	s24 =	simm.s32 $0x100  }
0xf5: {  	s17 =	simm.s32 $0x82;
	v21 =	vshll.u32 v21, v4;
	v22 =	vmov s24;
	v13 =	vadd.f32 v14, v13  }
0xf6: {  	v16 =	vshrl.u32 v18, $0x7;
	v18 =	vbroadcast v20, $0x0;
	v20 =	vmov s17;
	v17 =	vld.idx.msk [tilespmem:v17+s19+$0x0], $0xffff  }
0xf7: {  	v21 =	vbroadcast v21, $0x0;
	v16 =	vshll.u32 v16, v4;
	v13 =	vadd.f32 v15, v13  }
0xf8: {  	s18 =	simm.s32 $0x83;
	v14 =	vbroadcast v16, $0x0;
	v16 =	vor.u32 v2, v18;
	v18 =	vshrl.u32 v20, $0x7  }
0xf9: {  	v20 =	vmov s18;
	v18 =	vshll.u32 v18, v4;
	v13 =	vadd.f32 v19, v13  }
0xfa: {  	s20 =	simm.s32 $0x84;
	v14 =	vor.u32 v5, v14;
	v15 =	vbroadcast v18, $0x0;
	v18 =	vshrl.u32 v20, $0x7  }
0xfb: {  	v20 =	vmov s20;
	v18 =	vshll.u32 v18, v4;
	v13 =	vadd.f32 v17, v13  }
0xfc: {  	s21 =	simm.s32 $0x85;
	s17 =	simm.s32 $0x9CF0;
	v18 =	vbroadcast v18, $0x0;
	v19 =	vshrl.u32 v20, $0x7;
	v15 =	vor.u32 v6, v15  }
0xfd: {  	v22 =	vshrl.u32 v22, $0x7;
	v20 =	vmov s21;
	v19 =	vshll.u32 v19, v4;
	[tilespmem:s17+$0xFFFFFFD0] =	vst v13  }
0xfe: {  	s22 =	simm.s32 $0x86;
	v20 =	vshrl.u32 v20, $0x7;
	v17 =	vbroadcast v19, $0x0;
	v18 =	vor.u32 v7, v18;
	v16 =	vld.idx.msk [tilespmem:v16+s19+$0x0], $0xffff  }
0xff: {  	v22 =	vshll.u32 v22, v4;
	v19 =	vshll.u32 v20, v4;
	v20 =	vmov s22;
	v14 =	vld.idx.msk [tilespmem:v14+s19+$0x0], $0xffff  }
0x100: {  	s18 =	simm.s32 $0x101;
	v19 =	vbroadcast v19, $0x0;
	v20 =	vshrl.u32 v20, $0x7;
	v17 =	vor.u32 v8, v17  }
0x101: {  	v22 =	vbroadcast v22, $0x0;
	v23 =	vmov s18;
	v20 =	vshll.u32 v20, v4;
	v15 =	vld.idx.msk [tilespmem:v15+s19+$0x0], $0xffff  }
0x102: {  	v23 =	vshrl.u32 v23, $0x7;
	v19 =	vor.u32 v9, v19;
	v20 =	vbroadcast v20, $0x0  }
0x103: {  	v21 =	vor.u32 v11, v21;
	s20 =	simm.s32 $0x102;
	v22 =	vor.u32 v2, v22;
	v23 =	vshll.u32 v23, v4;
	v18 =	vld.idx.msk [tilespmem:v18+s19+$0x0], $0xffff  }
0x104: {  	v24 =	vmov s20;
	s21 =	simm.s32 $0x103;
	v20 =	vor.u32 v10, v20;
	v14 =	vadd.f32 v14, v16  }
0x105: {  	v23 =	vbroadcast v23, $0x0;
	v17 =	vld.idx.msk [tilespmem:v17+s19+$0x0], $0xffff;
	v16 =	vshrl.u32 v24, $0x7;
	v24 =	vmov s21  }
0x106: {  	v16 =	vshll.u32 v16, v4;
	v24 =	vshrl.u32 v24, $0x7;
	v14 =	vadd.f32 v15, v14  }
0x107: {  	s22 =	simm.s32 $0x104;
	v13 =	vmul.f32 v13, v13;
	v19 =	vld.idx.msk [tilespmem:v19+s19+$0x0], $0xffff;
	v15 =	vbroadcast v16, $0x0;
	v16 =	vshll.u32 v24, v4  }
0x108: {  	v24 =	vmov s22;
	v16 =	vbroadcast v16, $0x0;
	v14 =	vadd.f32 v18, v14  }
0x109: {  	s23 =	simm.s32 $0x105;
	v20 =	vld.idx.msk [tilespmem:v20+s19+$0x0], $0xffff;
	v24 =	vshrl.u32 v24, $0x7;
	v18 =	vor.u32 v5, v23;
	v23 =	vor.u32 v6, v15  }
0x10a: {  	v15 =	vshll.u32 v24, v4;
	v24 =	vmov s23;
	v14 =	vadd.f32 v17, v14  }
0x10b: {  	s18 =	simm.s32 $0x107;
	v26 =	vor.u32 v7, v16;
	v15 =	vbroadcast v15, $0x0;
	v16 =	vshrl.u32 v24, $0x7;
	v17 =	vld.idx.msk [tilespmem:v21+s19+$0x0], $0xffff  }
0x10c: {  	s24 =	simm.s32 $0x106;
	s23 =	simm.s32 $0x183;
	v24 =	vmov s18;
	v16 =	vshll.u32 v16, v4;
	v14 =	vadd.f32 v19, v14  }
0x10d: {  	v25 =	vmov s23;
	v21 =	vmov s24;
	v16 =	vbroadcast v16, $0x0  }
0x10e: {  	v19 =	vor.u32 v8, v15;
	v15 =	vshrl.u32 v21, $0x7;
	v14 =	vadd.f32 v20, v14  }
0x10f: {  	v21 =	vshll.u32 v15, v4;
	v15 =	vadd.f32 v13, v12;
	v13 =	vor.u32 v9, v16  }
0x110: {  	s20 =	simm.s32 $0x180;
	s21 =	simm.s32 $0x181;
	v16 =	vshrl.u32 v24, $0x7;
	v20 =	vbroadcast v21, $0x0;
	v14 =	vadd.f32 v17, v14  }
0x111: {  	v24 =	vmov s21;
	v16 =	vshll.u32 v16, v4;
	v21 =	vmov s20  }
0x112: {  	s24 =	simm.s32 $0x200;
	v17 =	vbroadcast v16, $0x0;
	v16 =	vor.u32 v10, v20;
	v20 =	vshrl.u32 v21, $0x7;
	[tilespmem:s17+$0xFFFFFFE0] =	vst v14  }
0x113: {  	s22 =	simm.s32 $0x182;
	v28 =	vmov s24;
	v21 =	vshrl.u32 v24, $0x7;
	v20 =	vshll.u32 v20, v4;
	v24 =	vld.idx.msk [tilespmem:v22+s19+$0x0], $0xffff  }
0x114: {  	v21 =	vshll.u32 v21, v4;
	v20 =	vbroadcast v20, $0x0;
	v22 =	vmov s22;
	v18 =	vld.idx.msk [tilespmem:v18+s19+$0x0], $0xffff  }
0x115: {  	v27 =	vbroadcast v21, $0x0;
	v14 =	vmul.f32 v14, v14;
	v22 =	vshrl.u32 v22, $0x7  }
0x116: {  	v29 =	vld.idx.msk [tilespmem:v23+s19+$0x0], $0xffff;
	v21 =	vor.u32 v2, v20;
	v20 =	vshll.u32 v22, v4;
	v22 =	vshrl.u32 v28, $0x7  }
0x117: {  	v23 =	vshrl.u32 v25, $0x7;
	v28 =	vbroadcast v20, $0x0;
	v20 =	vshll.u32 v22, v4  }
0x118: {  	v17 =	vor.u32 v11, v17;
	v23 =	vshll.u32 v23, v4;
	v22 =	vbroadcast v20, $0x0  }
0x119: {  	v25 =	vor.u32 v5, v27;
	v14 =	vadd.f32 v14, v12;
	v20 =	vld.idx.msk [tilespmem:v26+s19+$0x0], $0xffff;
	v24 =	vadd.f32 v18, v24  }
0x11a: {  	s1 =	simm.s32 $0x387;
	v27 =	vbroadcast v23, $0x0;
	v23 =	vld.idx.msk [tilespmem:v19+s19+$0x0], $0xffff;
	v26 =	vor.u32 v6, v28;
	v19 =	vor.u32 v2, v22  }
0x11b: {  	s18 =	simm.s32 $0x9CF0;
	s21 =	simm.s32 $0x587;
	s20 =	simm.s32 $0x187;
	v18 =	vor.u32 v5, v22;
	v28 =	vadd.f32 v29, v24;
	v24 =	vld.idx.msk [tilespmem:v13+s19+$0x0], $0xffff;
	v13 =	vimm.f32 $0.0e+00  }
.LBB2_13:
0x11c: {  	p0 =	sne.s32 s21, $0x1187  }
0x11d: {  	s17 =	sadd.s32 $0x200, s17;
	s22 =	smov.u32 s21;
	s21 =	sadd.s32 $0x200, s21  }
0x11e: {  	v20 =	vadd.f32 v20, v28;
	v28 =	vld.idx.msk [tilespmem:v16+s19+$0x0], $0xffff  }
0x11f: {  	v16 =	vor.u32 v6, v22  }
0x120: {  	v20 =	vadd.f32 v23, v20;
	v23 =	vld.idx.msk [tilespmem:v17+s19+$0x0], $0xffff  }
0x121: {  	v17 =	vor.u32 v7, v22  }
0x122: {  	s23 =	sadd.s32 $0xFFFFFFFD, s20;
	v24 =	vadd.f32 v24, v20  }
0x123: {  	v30 =	vmov s20;
	v29 =	vmov s23;
	s23 =	sadd.s32 $0xFFFFFFFE, s20;
	v20 =	vor.u32 v8, v22  }
0x124: {  	v29 =	vshrl.u32 v29, $0x7;
	v31 =	vmov s23;
	s23 =	sadd.s32 $0xFFFFFFFF, s20;
	s20 =	smov.u32 s1;
	s1 =	smov.u32 s22;
	v28 =	vadd.f32 v28, v24  }
0x125: {  	v30 =	vshrl.u32 v30, $0x7;
	v29 =	vshll.u32 v29, v4;
	v24 =	vor.u32 v9, v22  }
0x126: {  	v31 =	vshrl.u32 v31, $0x7;
	v29 =	vbroadcast v29, $0x0;
	v28 =	vadd.f32 v23, v28  }
0x127: {  	v27 =	vor.u32 v7, v27;
	v30 =	vshll.u32 v30, v4;
	v23 =	vor.u32 v10, v22  }
0x128: {  	v32 =	vmov s23;
	v29 =	vor.u32 v8, v29;
	[tilespmem:s18+$0xFFFFFFF0] =	vst v28;
	v28 =	vmul.f32 v28, v28  }
0x129: {  	v30 =	vbroadcast v30, $0x0;
	v32 =	vshrl.u32 v32, $0x7;
	v22 =	vor.u32 v11, v22;
	v21 =	vld.idx.msk [tilespmem:v21+s19+$0x0], $0xffff  }
0x12a: {  	v31 =	vshll.u32 v31, v4;
	v32 =	vshll.u32 v32, v4;
	v25 =	vld.idx.msk [tilespmem:v25+s19+$0x0], $0xffff;
	v12 =	vadd.f32 v28, v12  }
0x12b: {  	v30 =	vor.u32 v11, v30;
	v28 =	vbroadcast v31, $0x0;
	v31 =	vbroadcast v32, $0x0;
	v26 =	vld.idx.msk [tilespmem:v26+s19+$0x0], $0xffff  }
0x12c: {  	s22 =	sadd.s32 $0xFFFFFEF9, s20;
	v27 =	vld.idx.msk [tilespmem:v27+s19+$0x0], $0xffff  }
0x12d: {  	v32 =	vmov s22;
	s22 =	sadd.s32 $0xFFFFFEFA, s20;
	v28 =	vor.u32 v9, v28;
	v31 =	vor.u32 v10, v31;
	v29 =	vld.idx.msk [tilespmem:v29+s19+$0x0], $0xffff  }
0x12e: {  	v32 =	vshrl.u32 v32, $0x7;
	v33 =	vmov s22  }
0x12f: {  	s22 =	sadd.s32 $0xFFFFFEFB, s20;
	v32 =	vshll.u32 v32, v4;
	v33 =	vshrl.u32 v33, $0x7  }
0x130: {  	v32 =	vbroadcast v32, $0x0;
	v33 =	vshll.u32 v33, v4;
	v25 =	vadd.f32 v25, v21;
	v30 =	vld.idx.msk [tilespmem:v30+s19+$0x0], $0xffff  }
0x131: {  	v34 =	vmov s22;
	v33 =	vbroadcast v33, $0x0  }
0x132: {  	s22 =	sadd.s32 $0xFFFFFEFC, s20;
	v21 =	vor.u32 v2, v32;
	v32 =	vshrl.u32 v34, $0x7;
	v26 =	vadd.f32 v26, v25;
	v28 =	vld.idx.msk [tilespmem:v28+s19+$0x0], $0xffff  }
0x133: {  	v32 =	vshll.u32 v32, v4;
	v25 =	vor.u32 v5, v33;
	v31 =	vld.idx.msk [tilespmem:v31+s19+$0x0], $0xffff  }
0x134: {  	v32 =	vbroadcast v32, $0x0;
	v33 =	vmov s22;
	v27 =	vadd.f32 v27, v26  }
0x135: {  	s22 =	sadd.s32 $0xFFFFFEFD, s20;
	v33 =	vshrl.u32 v33, $0x7  }
0x136: {  	v26 =	vor.u32 v6, v32;
	v32 =	vshll.u32 v33, v4;
	v27 =	vadd.f32 v29, v27  }
0x137: {  	v29 =	vbroadcast v32, $0x0;
	v32 =	vmov s22  }
0x138: {  	s22 =	sadd.s32 $0xFFFFFEFE, s20;
	v32 =	vshrl.u32 v32, $0x7;
	v27 =	vadd.f32 v28, v27  }
0x139: {  	v28 =	vor.u32 v7, v29;
	v29 =	vshll.u32 v32, v4  }
0x13a: {  	v32 =	vmov s22;
	v29 =	vbroadcast v29, $0x0;
	v27 =	vadd.f32 v31, v27  }
0x13b: {  	s22 =	sadd.s32 $0xFFFFFEFF, s20;
	v31 =	vshrl.u32 v32, $0x7  }
0x13c: {  	v29 =	vor.u32 v8, v29;
	v31 =	vshll.u32 v31, v4;
	v27 =	vadd.f32 v30, v27  }
0x13d: {  	v30 =	vbroadcast v31, $0x0;
	v31 =	vmov s22;
	s22 =	sadd.s32 $0xFFFFFF00, s20  }
0x13e: {  	v31 =	vshrl.u32 v31, $0x7;
	v32 =	vmov s22;
	[tilespmem:s18+$0x0] =	vst v27;
	v27 =	vmul.f32 v27, v27;
	s18 =	smov.u32 s17  }
0x13f: {  	v30 =	vor.u32 v9, v30;
	v31 =	vshll.u32 v31, v4;
	v32 =	vshrl.u32 v32, $0x7;
	v19 =	vld.idx.msk [tilespmem:v19+s19+$0x0], $0xffff  }
0x140: {  	v31 =	vbroadcast v31, $0x0;
	v32 =	vshll.u32 v32, v4;
	v18 =	vld.idx.msk [tilespmem:v18+s19+$0x0], $0xffff;
	v13 =	vadd.f32 v27, v13  }
0x141: {  	v27 =	vbroadcast v32, $0x0  }
0x142: {  	v16 =	vld.idx.msk [tilespmem:v16+s19+$0x0], $0xffff  }
0x143: {  	v27 =	vor.u32 v11, v27  }
0x144: {  	v17 =	vld.idx.msk [tilespmem:v17+s19+$0x0], $0xffff;
	_ =	sdelay $0x1  }
0x145: {  	s22 =	sadd.s32 $0xFFFFFF79, s20;
	v18 =	vadd.f32 v18, v19;
	v19 =	vld.idx.msk [tilespmem:v20+s19+$0x0], $0xffff  }
0x146: {  	v20 =	vmov s22;
	s22 =	sadd.s32 $0xFFFFFF7A, s20  }
0x147: {  	v16 =	vadd.f32 v16, v18;
	v20 =	vshrl.u32 v20, $0x7;
	v18 =	vld.idx.msk [tilespmem:v24+s19+$0x0], $0xffff;
	v24 =	vmov s22  }
0x148: {  	v20 =	vshll.u32 v20, v4;
	s22 =	sadd.s32 $0xFFFFFF7B, s20;
	v24 =	vshrl.u32 v24, $0x7  }
0x149: {  	v16 =	vadd.f32 v17, v16;
	v20 =	vbroadcast v20, $0x0;
	v17 =	vld.idx.msk [tilespmem:v23+s19+$0x0], $0xffff;
	v23 =	vshll.u32 v24, v4  }
0x14a: {  	v24 =	vmov s22;
	v23 =	vbroadcast v23, $0x0  }
0x14b: {  	v16 =	vadd.f32 v19, v16;
	v20 =	vor.u32 v2, v20;
	v19 =	vld.idx.msk [tilespmem:v22+s19+$0x0], $0xffff;
	v22 =	vshrl.u32 v24, $0x7  }
0x14c: {  	v23 =	vor.u32 v5, v23;
	v22 =	vshll.u32 v22, v4  }
0x14d: {  	s22 =	sadd.s32 $0xFFFFFF7C, s20;
	v16 =	vadd.f32 v18, v16;
	v18 =	vbroadcast v22, $0x0  }
0x14e: {  	v22 =	vmov s22  }
0x14f: {  	s22 =	sadd.s32 $0xFFFFFF7D, s20;
	v16 =	vadd.f32 v17, v16;
	v17 =	vshrl.u32 v22, $0x7;
	v18 =	vor.u32 v6, v18  }
0x150: {  	v22 =	vmov s22;
	v17 =	vshll.u32 v17, v4  }
0x151: {  	s22 =	sadd.s32 $0xFFFFFF7E, s20;
	v16 =	vadd.f32 v19, v16;
	v17 =	vbroadcast v17, $0x0;
	v19 =	vshrl.u32 v22, $0x7  }
0x152: {  	v22 =	vmov s22;
	v19 =	vshll.u32 v19, v4  }
0x153: {  	s22 =	sadd.s32 $0xFFFFFF7F, s20;
	v24 =	vor.u32 v7, v17;
	v17 =	vbroadcast v19, $0x0;
	v19 =	vshrl.u32 v22, $0x7;
	[tilespmem:s17+$0xFFFFFFD0] =	vst v16  }
0x154: {  	v22 =	vmov s22;
	v16 =	vmul.f32 v16, v16;
	v19 =	vshll.u32 v19, v4;
	v21 =	vld.idx.msk [tilespmem:v21+s19+$0x0], $0xffff  }
0x155: {  	s22 =	sadd.s32 $0xFFFFFF80, s20;
	v32 =	vor.u32 v8, v17;
	v17 =	vbroadcast v19, $0x0;
	v19 =	vshrl.u32 v22, $0x7;
	v25 =	vld.idx.msk [tilespmem:v25+s19+$0x0], $0xffff  }
0x156: {  	v22 =	vmov s22;
	v19 =	vshll.u32 v19, v4;
	v15 =	vadd.f32 v16, v15  }
0x157: {  	v33 =	vor.u32 v9, v17;
	v16 =	vbroadcast v19, $0x0;
	v17 =	vshrl.u32 v22, $0x7;
	v26 =	vld.idx.msk [tilespmem:v26+s19+$0x0], $0xffff  }
0x158: {  	v17 =	vshll.u32 v17, v4  }
0x159: {  	v16 =	vor.u32 v10, v16;
	v17 =	vbroadcast v17, $0x0;
	v19 =	vld.idx.msk [tilespmem:v28+s19+$0x0], $0xffff  }
0x15a: {  	v22 =	vor.u32 v10, v31  }
0x15b: {  	v21 =	vadd.f32 v25, v21;
	v17 =	vor.u32 v11, v17;
	v25 =	vld.idx.msk [tilespmem:v29+s19+$0x0], $0xffff;
	_ =	sdelay $0x1  }
0x15c: {  	v21 =	vadd.f32 v26, v21;
	v26 =	vld.idx.msk [tilespmem:v30+s19+$0x0], $0xffff  }
0x15d: {  	s23 =	sadd.s32 $0xFFFFFFFA, s20;
	s22 =	sadd.s32 $0xFFFFFFF9, s20  }
0x15e: {  	v28 =	vmov s23;
	v19 =	vadd.f32 v19, v21;
	v21 =	vmov s22;
	v22 =	vld.idx.msk [tilespmem:v22+s19+$0x0], $0xffff  }
0x15f: {  	s23 =	sadd.s32 $0xFFFFFFFC, s20;
	v28 =	vshrl.u32 v28, $0x7;
	s22 =	sadd.s32 $0xFFFFFFFB, s20;
	v21 =	vshrl.u32 v21, $0x7  }
0x160: {  	v19 =	vadd.f32 v25, v19;
	v21 =	vshll.u32 v21, v4;
	v25 =	vshll.u32 v28, v4;
	v27 =	vld.idx.msk [tilespmem:v27+s19+$0x0], $0xffff  }
0x161: {  	v29 =	vmov s23;
	v28 =	vmov s22;
	v21 =	vbroadcast v21, $0x0  }
0x162: {  	v25 =	vbroadcast v25, $0x0;
	v19 =	vadd.f32 v26, v19;
	v26 =	vshrl.u32 v28, $0x7  }
0x163: {  	v28 =	vshrl.u32 v29, $0x7;
	v21 =	vor.u32 v2, v21  }
0x164: {  	v25 =	vor.u32 v5, v25;
	v19 =	vadd.f32 v22, v19;
	v22 =	vshll.u32 v26, v4  }
0x165: {  	v26 =	vshll.u32 v28, v4;
	v22 =	vbroadcast v22, $0x0  }
0x166: {  	v19 =	vadd.f32 v27, v19;
	v27 =	vbroadcast v26, $0x0  }
0x167: {  	v26 =	vor.u32 v6, v22  }
0x168: {  	[tilespmem:s17+$0xFFFFFFE0] =	vst v19;
	v19 =	vmul.f32 v19, v19  }
0x169: {  	v28 =	vld.idx.msk [tilespmem:v20+s19+$0x0], $0xffff  }
0x16a: {  	v23 =	vld.idx.msk [tilespmem:v23+s19+$0x0], $0xffff;
	v14 =	vadd.f32 v19, v14  }
0x16b: {  	s22 =	sadd.s32 $0xFFFFFE79, s1  }
0x16c: {  	v19 =	vmov s22;
	v29 =	vld.idx.msk [tilespmem:v18+s19+$0x0], $0xffff  }
0x16d: {  	v18 =	vshrl.u32 v19, $0x7  }
.Ltmp5:
0x16e: {  	v18 =	vshll.u32 v18, v4;
	v20 =	vld.idx.msk [tilespmem:v24+s19+$0x0], $0xffff;
	(pc) =	sbr.rel @p0 .LBB2_13-.Ltmp5, $4  }
0x16f: {  	v22 =	vbroadcast v18, $0x0  }
0x170: {  	v24 =	vadd.f32 v23, v28;
	v23 =	vld.idx.msk [tilespmem:v32+s19+$0x0], $0xffff  }
0x171: {  	v19 =	vor.u32 v2, v22;
	v18 =	vor.u32 v5, v22  }
0x172: {  	v28 =	vadd.f32 v29, v24;
	v24 =	vld.idx.msk [tilespmem:v33+s19+$0x0], $0xffff  }
0x173: {  	_ =	sdelay $0x2  }
0x174: {  	v20 =	vadd.f32 v20, v28  }
0x175: {  	v16 =	vld.idx.msk [tilespmem:v16+s19+$0x0], $0xffff  }
0x176: {  	v20 =	vadd.f32 v23, v20  }
0x177: {  	v17 =	vld.idx.msk [tilespmem:v17+s19+$0x0], $0xffff  }
0x178: {  	v20 =	vadd.f32 v24, v20;
	_ =	sdelay $0x1  }
0x179: {  	v16 =	vadd.f32 v16, v20  }
0x17a: {  	s21 =	sadd.s32 $0xFFFFFFFD, s20  }
0x17b: {  	v47 =	vmov s21;
	v17 =	vadd.f32 v17, v16  }
0x17c: {  	s23 =	sadd.s32 $0xFFFFFFFE, s20;
	v48 =	vshrl.u32 v47, $0x7  }
0x17d: {  	v49 =	vmov s23;
	v16 =	vshll.u32 v48, v4;
	[tilespmem:s18+$0xFFFFFFF0] =	vst v17  }
0x17e: {  	s24 =	sadd.s32 $0xFFFFFFFF, s20;
	v50 =	vor.u32 v7, v27;
	v20 =	vshrl.u32 v49, $0x7;
	v16 =	vbroadcast v16, $0x0;
	v21 =	vld.idx.msk [tilespmem:v21+s19+$0x0], $0xffff  }
0x17f: {  	v51 =	vmov s24;
	v20 =	vshll.u32 v20, v4;
	v25 =	vld.idx.msk [tilespmem:v25+s19+$0x0], $0xffff  }
0x180: {  	v24 =	vshrl.u32 v51, $0x7;
	v20 =	vbroadcast v20, $0x0;
	v16 =	vor.u32 v8, v16  }
0x181: {  	v52 =	vmov s20;
	v24 =	vshll.u32 v24, v4;
	v26 =	vld.idx.msk [tilespmem:v26+s19+$0x0], $0xffff  }
0x182: {  	v27 =	vshrl.u32 v52, $0x7;
	v24 =	vbroadcast v24, $0x0;
	v20 =	vor.u32 v9, v20  }
0x183: {  	v27 =	vshll.u32 v27, v4;
	v23 =	vld.idx.msk [tilespmem:v50+s19+$0x0], $0xffff  }
0x184: {  	v27 =	vbroadcast v27, $0x0;
	v24 =	vor.u32 v10, v24;
	v21 =	vadd.f32 v25, v21  }
0x185: {  	v16 =	vld.idx.msk [tilespmem:v16+s19+$0x0], $0xffff  }
0x186: {  	v53 =	vor.u32 v11, v27;
	v21 =	vadd.f32 v26, v21  }
0x187: {  	v20 =	vld.idx.msk [tilespmem:v20+s19+$0x0], $0xffff  }
0x188: {  	v21 =	vadd.f32 v23, v21  }
0x189: {  	v54 =	vld.idx.msk [tilespmem:v24+s19+$0x0], $0xffff  }
0x18a: {  	v16 =	vadd.f32 v16, v21  }
0x18b: {  	v55 =	vld.idx.msk [tilespmem:v53+s19+$0x0], $0xffff  }
0x18c: {  	v16 =	vadd.f32 v20, v16;
	_ =	sdelay $0x1  }
0x18d: {  	v16 =	vadd.f32 v54, v16;
	_ =	sdelay $0x1  }
0x18e: {  	v16 =	vadd.f32 v55, v16  }
0x18f: {  	v56 =	vor.u32 v6, v22  }
0x190: {  	[tilespmem:s18+$0x0] =	vst v16  }
0x191: {  	v57 =	vor.u32 v7, v22;
	v19 =	vld.idx.msk [tilespmem:v19+s19+$0x0], $0xffff  }
0x192: {  	v18 =	vld.idx.msk [tilespmem:v18+s19+$0x0], $0xffff  }
0x193: {  	v58 =	vor.u32 v8, v22  }
0x194: {  	v20 =	vld.idx.msk [tilespmem:v56+s19+$0x0], $0xffff  }
0x195: {  	v59 =	vor.u32 v9, v22  }
0x196: {  	v21 =	vld.idx.msk [tilespmem:v57+s19+$0x0], $0xffff  }
0x197: {  	v60 =	vor.u32 v10, v22;
	v18 =	vadd.f32 v18, v19  }
0x198: {  	v61 =	vld.idx.msk [tilespmem:v58+s19+$0x0], $0xffff  }
0x199: {  	v62 =	vor.u32 v11, v22;
	v18 =	vadd.f32 v20, v18  }
0x19a: {  	v63 =	vld.idx.msk [tilespmem:v59+s19+$0x0], $0xffff  }
0x19b: {  	s20 =	sadd.s32 $0xFFFFFEF9, s1;
	v18 =	vadd.f32 v21, v18  }
0x19c: {  	s21 =	sadd.s32 $0xFFFFFEFA, s1;
	v27 =	vmov s20;
	v29 =	vld.idx.msk [tilespmem:v60+s19+$0x0], $0xffff  }
0x19d: {  	s22 =	sadd.s32 $0xFFFFFEFB, s1;
	v30 =	vmov s21;
	v28 =	vshrl.u32 v27, $0x7;
	v18 =	vadd.f32 v61, v18  }
0x19e: {  	v32 =	vmov s22;
	v31 =	vshrl.u32 v30, $0x7;
	v22 =	vld.idx.msk [tilespmem:v62+s19+$0x0], $0xffff;
	v21 =	vshll.u32 v28, v4  }
0x19f: {  	s23 =	sadd.s32 $0xFFFFFEFC, s1;
	v19 =	vshll.u32 v31, v4;
	v21 =	vbroadcast v21, $0x0;
	v18 =	vadd.f32 v63, v18  }
0x1a0: {  	v34 =	vshrl.u32 v32, $0x7;
	v35 =	vmov s23;
	v19 =	vbroadcast v19, $0x0  }
0x1a1: {  	v33 =	vor.u32 v2, v21;
	v21 =	vshll.u32 v34, v4;
	v18 =	vadd.f32 v29, v18  }
0x1a2: {  	s24 =	sadd.s32 $0xFFFFFEFD, s1;
	v36 =	vshrl.u32 v35, $0x7;
	v19 =	vor.u32 v5, v19;
	v21 =	vbroadcast v21, $0x0  }
0x1a3: {  	v37 =	vmov s24;
	v23 =	vshll.u32 v36, v4;
	v18 =	vadd.f32 v22, v18  }
0x1a4: {  	s17 =	sadd.s32 $0x200, s17;
	v39 =	vshrl.u32 v37, $0x7;
	s20 =	sadd.s32 $0xFFFFFEFE, s1;
	v38 =	vbroadcast v23, $0x0;
	v21 =	vor.u32 v6, v21  }
0x1a5: {  	v40 =	vmov s20;
	v23 =	vshll.u32 v39, v4;
	[tilespmem:s17+$0xFFFFFFD0] =	vst v18  }
0x1a6: {  	s21 =	sadd.s32 $0xFFFFFEFF, s1;
	v24 =	vshrl.u32 v40, $0x7;
	v23 =	vbroadcast v23, $0x0;
	v22 =	vor.u32 v7, v38;
	v20 =	vld.idx.msk [tilespmem:v33+s19+$0x0], $0xffff  }
0x1a7: {  	v41 =	vmov s21;
	v24 =	vshll.u32 v24, v4;
	v19 =	vld.idx.msk [tilespmem:v19+s19+$0x0], $0xffff  }
0x1a8: {  	s22 =	sadd.s32 $0xFFFFFF00, s1;
	v24 =	vbroadcast v24, $0x0;
	v25 =	vshrl.u32 v41, $0x7;
	v23 =	vor.u32 v8, v23  }
0x1a9: {  	v42 =	vmov s22;
	v25 =	vshll.u32 v25, v4;
	v21 =	vld.idx.msk [tilespmem:v21+s19+$0x0], $0xffff  }
0x1aa: {  	v24 =	vor.u32 v9, v24;
	v26 =	vshrl.u32 v42, $0x7;
	v25 =	vbroadcast v25, $0x0  }
0x1ab: {  	v26 =	vshll.u32 v26, v4;
	v22 =	vld.idx.msk [tilespmem:v22+s19+$0x0], $0xffff  }
0x1ac: {  	v26 =	vbroadcast v26, $0x0;
	v25 =	vor.u32 v10, v25;
	v19 =	vadd.f32 v19, v20  }
0x1ad: {  	v43 =	vld.idx.msk [tilespmem:v23+s19+$0x0], $0xffff  }
0x1ae: {  	v44 =	vor.u32 v11, v26;
	v19 =	vadd.f32 v21, v19  }
0x1af: {  	v45 =	vld.idx.msk [tilespmem:v24+s19+$0x0], $0xffff  }
0x1b0: {  	s23 =	sadd.s32 $0xFFFFFF79, s1;
	v19 =	vadd.f32 v22, v19  }
0x1b1: {  	s24 =	sadd.s32 $0xFFFFFF7A, s1;
	v46 =	vmov s23;
	v48 =	vld.idx.msk [tilespmem:v25+s19+$0x0], $0xffff  }
0x1b2: {  	v47 =	vshrl.u32 v46, $0x7;
	s20 =	sadd.s32 $0xFFFFFF7B, s1;
	v49 =	vmov s24;
	v19 =	vadd.f32 v43, v19  }
0x1b3: {  	v51 =	vmov s20;
	v50 =	vshrl.u32 v49, $0x7;
	v23 =	vld.idx.msk [tilespmem:v44+s19+$0x0], $0xffff;
	v22 =	vshll.u32 v47, v4  }
0x1b4: {  	s21 =	sadd.s32 $0xFFFFFF7C, s1;
	v20 =	vshll.u32 v50, v4;
	v22 =	vbroadcast v22, $0x0;
	v19 =	vadd.f32 v45, v19  }
0x1b5: {  	v53 =	vshrl.u32 v51, $0x7;
	v54 =	vmov s21;
	v20 =	vbroadcast v20, $0x0  }
0x1b6: {  	v52 =	vor.u32 v2, v22;
	v22 =	vshll.u32 v53, v4;
	v19 =	vadd.f32 v48, v19  }
0x1b7: {  	s22 =	sadd.s32 $0xFFFFFF7D, s1;
	v55 =	vshrl.u32 v54, $0x7;
	v20 =	vor.u32 v5, v20;
	v22 =	vbroadcast v22, $0x0  }
0x1b8: {  	v56 =	vmov s22;
	v24 =	vshll.u32 v55, v4;
	v19 =	vadd.f32 v23, v19  }
0x1b9: {  	s23 =	sadd.s32 $0xFFFFFF7E, s1;
	v58 =	vshrl.u32 v56, $0x7;
	v57 =	vbroadcast v24, $0x0;
	v22 =	vor.u32 v6, v22  }
0x1ba: {  	v59 =	vmov s23;
	v24 =	vshll.u32 v58, v4;
	[tilespmem:s17+$0xFFFFFFE0] =	vst v19  }
0x1bb: {  	s24 =	sadd.s32 $0xFFFFFF7F, s1;
	v25 =	vshrl.u32 v59, $0x7;
	v24 =	vbroadcast v24, $0x0;
	v23 =	vor.u32 v7, v57;
	v21 =	vld.idx.msk [tilespmem:v52+s19+$0x0], $0xffff  }
0x1bc: {  	v60 =	vmov s24;
	v25 =	vshll.u32 v25, v4;
	v20 =	vld.idx.msk [tilespmem:v20+s19+$0x0], $0xffff  }
0x1bd: {  	s20 =	sadd.s32 $0xFFFFFF80, s1;
	v26 =	vshrl.u32 v60, $0x7;
	v25 =	vbroadcast v25, $0x0;
	v24 =	vor.u32 v8, v24  }
0x1be: {  	v26 =	vshll.u32 v26, v4;
	v61 =	vmov s20;
	v22 =	vld.idx.msk [tilespmem:v22+s19+$0x0], $0xffff  }
0x1bf: {  	v26 =	vbroadcast v26, $0x0;
	v27 =	vshrl.u32 v61, $0x7;
	v25 =	vor.u32 v9, v25  }
0x1c0: {  	v27 =	vshll.u32 v27, v4;
	v23 =	vld.idx.msk [tilespmem:v23+s19+$0x0], $0xffff  }
0x1c1: {  	v26 =	vor.u32 v10, v26;
	v27 =	vbroadcast v27, $0x0;
	v20 =	vadd.f32 v20, v21  }
0x1c2: {  	s22 =	sadd.s32 $0xFFFFFFFA, s1;
	v62 =	vld.idx.msk [tilespmem:v24+s19+$0x0], $0xffff  }
0x1c3: {  	s21 =	sadd.s32 $0xFFFFFFF9, s1;
	s23 =	sadd.s32 $0xFFFFFFFB, s1;
	s24 =	sadd.s32 $0xFFFFFFFC, s1;
	v32 =	vmov s22;
	v63 =	vor.u32 v11, v27;
	v20 =	vadd.f32 v22, v20  }
0x1c4: {  	v36 =	vmov s23;
	v37 =	vmov s24;
	s22 =	sadd.s32 $0xFFFFFFFE, s1;
	v31 =	vmov s21;
	s21 =	sadd.s32 $0xFFFFFFFD, s1;
	v30 =	vld.idx.msk [tilespmem:v25+s19+$0x0], $0xffff  }
0x1c5: {  	s23 =	sadd.s32 $0xFFFFFFFF, s1;
	v41 =	vmov s22;
	v39 =	vmov s21;
	v20 =	vadd.f32 v23, v20  }
0x1c6: {  	v42 =	vmov s23;
	v40 =	vshrl.u32 v39, $0x7;
	v18 =	vmul.f32 v18, v18;
	v35 =	vld.idx.msk [tilespmem:v26+s19+$0x0], $0xffff  }
0x1c7: {  	v34 =	vshrl.u32 v32, $0x7;
	v33 =	vshrl.u32 v31, $0x7;
	v20 =	vadd.f32 v62, v20  }
0x1c8: {  	v38 =	vshrl.u32 v37, $0x7;
	v15 =	vadd.f32 v18, v15;
	v18 =	vshll.u32 v33, v4;
	v24 =	vld.idx.msk [tilespmem:v63+s19+$0x0], $0xffff  }
0x1c9: {  	v18 =	vbroadcast v18, $0x0;
	v23 =	vshll.u32 v34, v4;
	v20 =	vadd.f32 v30, v20  }
0x1ca: {  	v15 =	vmax.f32 v15, $4.096000080e-21;
	v21 =	vshrl.u32 v36, $0x7;
	v23 =	vbroadcast v23, $0x0  }
0x1cb: {  	v18 =	vor.u32 v2, v18;
	v21 =	vshll.u32 v21, v4;
	v20 =	vadd.f32 v35, v20  }
0x1cc: {  	v43 =	vshra.s32 v15, $0x1;
	v21 =	vbroadcast v21, $0x0;
	v23 =	vor.u32 v5, v23  }
0x1cd: {  	v15 =	vmul.f32 $5.000000000e-01, v15;
	v22 =	vshll.u32 v38, v4;
	v20 =	vadd.f32 v24, v20  }
0x1ce: {  	v27 =	vsub.s32 $0x5F3759DF, v43;
	v22 =	vbroadcast v22, $0x0;
	v21 =	vor.u32 v6, v21  }
0x1cf: {  	v29 =	vmov s1;
	v44 =	vmul.f32 v27, v15;
	v25 =	vshll.u32 v40, v4;
	[tilespmem:s17+$0xFFFFFFF0] =	vst v20  }
0x1d0: {  	v25 =	vbroadcast v25, $0x0;
	v22 =	vor.u32 v7, v22;
	v24 =	vshrl.u32 v41, $0x7;
	v18 =	vld.idx.msk [tilespmem:v18+s19+$0x0], $0xffff  }
0x1d1: {  	v45 =	vshrl.u32 v29, $0x7;
	v19 =	vmul.f32 v19, v19;
	v24 =	vshll.u32 v24, v4;
	v23 =	vld.idx.msk [tilespmem:v23+s19+$0x0], $0xffff  }
0x1d2: {  	v26 =	vshrl.u32 v42, $0x7;
	v25 =	vor.u32 v8, v25;
	v24 =	vbroadcast v24, $0x0  }
0x1d3: {  	v28 =	vmul.f32 v27, v44;
	v26 =	vshll.u32 v26, v4;
	v14 =	vadd.f32 v19, v14;
	v21 =	vld.idx.msk [tilespmem:v21+s19+$0x0], $0xffff  }
0x1d4: {  	v19 =	vshll.u32 v45, v4;
	v26 =	vbroadcast v26, $0x0;
	v24 =	vor.u32 v9, v24  }
0x1d5: {  	v47 =	vsub.f32 $1.500000000e+00, v28;
	v19 =	vbroadcast v19, $0x0;
	v22 =	vld.idx.msk [tilespmem:v22+s19+$0x0], $0xffff  }
0x1d6: {  	v14 =	vmax.f32 v14, $4.096000080e-21;
	v26 =	vor.u32 v10, v26;
	v18 =	vadd.f32 v23, v18  }
0x1d7: {  	v17 =	vmul.f32 v17, v17;
	v48 =	vshra.s32 v14, $0x1;
	v46 =	vld.idx.msk [tilespmem:v25+s19+$0x0], $0xffff;
	v25 =	vmul.f32 v27, v47  }
0x1d8: {  	v14 =	vmul.f32 $5.000000000e-01, v14;
	v19 =	vor.u32 v11, v19;
	v18 =	vadd.f32 v21, v18  }
0x1d9: {  	v12 =	vadd.f32 v17, v12;
	v52 =	vmul.f32 v25, v15;
	v24 =	vld.idx.msk [tilespmem:v24+s19+$0x0], $0xffff;
	v21 =	vsub.s32 $0x5F3759DF, v48  }
0x1da: {  	v50 =	vmul.f32 v20, v20;
	v49 =	vmul.f32 v21, v14;
	v18 =	vadd.f32 v22, v18  }
0x1db: {  	v51 =	vld.idx.msk [tilespmem:v26+s19+$0x0], $0xffff;
	v53 =	vmul.f32 v52, v25  }
0x1dc: {  	v12 =	vadd.f32 v50, v12;
	v22 =	vmul.f32 v21, v49;
	v18 =	vadd.f32 v46, v18  }
0x1dd: {  	v19 =	vld.idx.msk [tilespmem:v19+s19+$0x0], $0xffff;
	v17 =	vsub.f32 $1.500000000e+00, v53  }
0x1de: {  	v12 =	vmax.f32 v12, $4.096000080e-21;
	v22 =	vsub.f32 $1.500000000e+00, v22;
	v18 =	vadd.f32 v24, v18  }
0x1df: {  	v55 =	vshra.s32 v12, $0x1;
	v12 =	vmul.f32 $5.000000000e-01, v12;
	v17 =	vmul.f32 v17, v25  }
0x1e0: {  	v54 =	vmul.f32 v21, v22;
	v21 =	vsub.s32 $0x5F3759DF, v55;
	v18 =	vadd.f32 v51, v18  }
0x1e1: {  	v56 =	vmul.f32 v21, v12  }
0x1e2: {  	v15 =	vmul.f32 v17, v15;
	v22 =	vmul.f32 v54, v14;
	v18 =	vadd.f32 v19, v18  }
0x1e3: {  	v19 =	vmul.f32 v21, v56  }
0x1e4: {  	v15 =	vmul.f32 v15, v17;
	v22 =	vmul.f32 v22, v54;
	[tilespmem:s17+$0x0] =	vst v18  }
0x1e5: {  	v19 =	vsub.f32 $1.500000000e+00, v19;
	v57 =	vld [tilespmem:$0x9CC0]  }
0x1e6: {  	v15 =	vsub.f32 $1.500000000e+00, v15;
	v22 =	vsub.f32 $1.500000000e+00, v22  }
0x1e7: {  	v58 =	vmul.f32 v21, v19  }
0x1e8: {  	v15 =	vmul.f32 v15, v17;
	v20 =	vmul.f32 v22, v54  }
0x1e9: {  	v19 =	vmul.f32 v58, v12  }
0x1ea: {  	s24 =	sshll.u32 s31, $0x6;
	v14 =	vmul.f32 v20, v14;
	v59 =	vmul.f32 v57, v15  }
0x1eb: {  	s1 =	sand.u32 $0x1C0, s24  }
0x1ec: {  	v19 =	vmul.f32 v19, v58;
	v14 =	vmul.f32 v14, v20;
	[tilespmem:s1+$0x9B00] =	vst v59  }
0x1ed: {  	v21 =	vld [tilespmem:$0x9CD0]  }
0x1ee: {  	v19 =	vsub.f32 $1.500000000e+00, v19;
	v14 =	vsub.f32 $1.500000000e+00, v14;
	_ =	sdelay $0x1  }
0x1ef: {  	v17 =	vmul.f32 v19, v58;
	v14 =	vmul.f32 v14, v20;
	_ =	sdelay $0x1  }
0x1f0: {  	v12 =	vmul.f32 v17, v12;
	v60 =	vmul.f32 v21, v14;
	_ =	sdelay $0x1  }
0x1f1: {  	v12 =	vmul.f32 v12, v17;
	[tilespmem:s1+$0x9B10] =	vst v60  }
0x1f2: {  	v19 =	vld [tilespmem:$0x9CE0]  }
0x1f3: {  	v61 =	vld [tilespmem:$0x9EC0];
	v12 =	vsub.f32 $1.500000000e+00, v12;
	_ =	sdelay $0x1  }
0x1f4: {  	v12 =	vmul.f32 v12, v17;
	_ =	sdelay $0x1  }
0x1f5: {  	v17 =	vmul.f32 v19, v12  }
0x1f6: {  	v62 =	vmul.f32 v61, v15  }
0x1f7: {  	[tilespmem:s1+$0x9B20] =	vst v17  }
0x1f8: {  	v63 =	vld [tilespmem:$0x9CF0];
	[tilespmem:s1+$0x9D00] =	vst v62  }
0x1f9: {  	v17 =	vld [tilespmem:$0x9ED0];
	_ =	sdelay $0x4  }
0x1fa: {  	v17 =	vmul.f32 v17, v14;
	_ =	sdelay $0x1  }
0x1fb: {  	[tilespmem:s1+$0x9D10] =	vst v17  }
0x1fc: {  	v17 =	vld [tilespmem:$0x9EE0]  }
0x1fd: {  	v26 =	vld [tilespmem:$0xA0C0];
	_ =	sdelay $0x3  }
0x1fe: {  	v17 =	vmul.f32 v17, v12  }
0x1ff: {  	v27 =	vmul.f32 v26, v15  }
0x200: {  	[tilespmem:s1+$0x9D20] =	vst v17  }
0x201: {  	v28 =	vld [tilespmem:$0x9EF0];
	[tilespmem:s1+$0x9F00] =	vst v27  }
0x202: {  	v17 =	vld [tilespmem:$0xA0D0];
	_ =	sdelay $0x4  }
0x203: {  	v17 =	vmul.f32 v17, v14;
	_ =	sdelay $0x1  }
0x204: {  	[tilespmem:s1+$0x9F10] =	vst v17  }
0x205: {  	v17 =	vld [tilespmem:$0xA0E0]  }
0x206: {  	v29 =	vld [tilespmem:$0xA2C0];
	_ =	sdelay $0x3  }
0x207: {  	v17 =	vmul.f32 v17, v12  }
0x208: {  	v30 =	vmul.f32 v29, v15  }
0x209: {  	[tilespmem:s1+$0x9F20] =	vst v17  }
0x20a: {  	v31 =	vld [tilespmem:$0xA0F0];
	[tilespmem:s1+$0xA100] =	vst v30  }
0x20b: {  	v17 =	vld [tilespmem:$0xA2D0];
	_ =	sdelay $0x4  }
0x20c: {  	v17 =	vmul.f32 v17, v14;
	_ =	sdelay $0x1  }
0x20d: {  	[tilespmem:s1+$0xA110] =	vst v17  }
0x20e: {  	v17 =	vld [tilespmem:$0xA2E0]  }
0x20f: {  	v32 =	vld [tilespmem:$0xA4C0];
	_ =	sdelay $0x3  }
0x210: {  	v17 =	vmul.f32 v17, v12  }
0x211: {  	v33 =	vmul.f32 v32, v15  }
0x212: {  	[tilespmem:s1+$0xA120] =	vst v17  }
0x213: {  	v34 =	vld [tilespmem:$0xA2F0];
	[tilespmem:s1+$0xA300] =	vst v33  }
0x214: {  	v17 =	vld [tilespmem:$0xA4D0];
	_ =	sdelay $0x4  }
0x215: {  	v17 =	vmul.f32 v17, v14;
	_ =	sdelay $0x1  }
0x216: {  	[tilespmem:s1+$0xA310] =	vst v17  }
0x217: {  	v17 =	vld [tilespmem:$0xA4E0]  }
0x218: {  	v35 =	vld [tilespmem:$0xA6C0];
	_ =	sdelay $0x3  }
0x219: {  	v17 =	vmul.f32 v17, v12  }
0x21a: {  	v36 =	vmul.f32 v35, v15  }
0x21b: {  	[tilespmem:s1+$0xA320] =	vst v17  }
0x21c: {  	v37 =	vld [tilespmem:$0xA4F0];
	[tilespmem:s1+$0xA500] =	vst v36  }
0x21d: {  	v17 =	vld [tilespmem:$0xA6D0];
	_ =	sdelay $0x4  }
0x21e: {  	v17 =	vmul.f32 v17, v14;
	_ =	sdelay $0x1  }
0x21f: {  	[tilespmem:s1+$0xA510] =	vst v17  }
0x220: {  	v17 =	vld [tilespmem:$0xA6E0]  }
0x221: {  	v38 =	vld [tilespmem:$0xA8C0];
	_ =	sdelay $0x3  }
0x222: {  	v17 =	vmul.f32 v17, v12  }
0x223: {  	v39 =	vmul.f32 v38, v15  }
0x224: {  	[tilespmem:s1+$0xA520] =	vst v17  }
0x225: {  	v40 =	vld [tilespmem:$0xA6F0];
	[tilespmem:s1+$0xA700] =	vst v39  }
0x226: {  	v17 =	vld [tilespmem:$0xA8D0];
	_ =	sdelay $0x4  }
0x227: {  	v17 =	vmul.f32 v17, v14;
	_ =	sdelay $0x1  }
0x228: {  	[tilespmem:s1+$0xA710] =	vst v17  }
0x229: {  	v17 =	vld [tilespmem:$0xA8E0]  }
0x22a: {  	v41 =	vld [tilespmem:$0xAAC0];
	_ =	sdelay $0x3  }
0x22b: {  	v16 =	vmul.f32 v16, v16;
	v17 =	vmul.f32 v17, v12  }
0x22c: {  	v42 =	vmul.f32 v41, v15  }
0x22d: {  	v13 =	vadd.f32 v16, v13;
	v44 =	vmul.f32 v18, v18;
	[tilespmem:s1+$0xA720] =	vst v17  }
0x22e: {  	v43 =	vld [tilespmem:$0xA8F0];
	[tilespmem:s1+$0xA900] =	vst v42  }
0x22f: {  	v13 =	vadd.f32 v44, v13;
	v17 =	vld [tilespmem:$0xAAD0];
	_ =	sdelay $0x1  }
0x230: {  	v13 =	vmax.f32 v13, $4.096000080e-21  }
0x231: {  	v45 =	vshra.s32 v13, $0x1;
	v13 =	vmul.f32 $5.000000000e-01, v13  }
0x232: {  	v16 =	vsub.s32 $0x5F3759DF, v45  }
0x233: {  	v46 =	vmul.f32 v16, v13;
	v17 =	vmul.f32 v17, v14;
	_ =	sdelay $0x1  }
0x234: {  	v47 =	vmul.f32 v16, v46;
	[tilespmem:s1+$0xA910] =	vst v17  }
0x235: {  	v48 =	vld [tilespmem:$0xAAE0]  }
0x236: {  	v49 =	vld [tilespmem:$0xACC0];
	v17 =	vsub.f32 $1.500000000e+00, v47;
	_ =	sdelay $0x1  }
0x237: {  	v16 =	vmul.f32 v16, v17;
	_ =	sdelay $0x1  }
0x238: {  	v51 =	vmul.f32 v16, v13;
	v50 =	vmul.f32 v48, v12  }
0x239: {  	v15 =	vmul.f32 v49, v15  }
0x23a: {  	v52 =	vmul.f32 v51, v16;
	[tilespmem:s1+$0xA920] =	vst v50  }
0x23b: {  	v53 =	vld [tilespmem:$0xAAF0];
	[tilespmem:s1+$0xAB00] =	vst v15  }
0x23c: {  	v54 =	vsub.f32 $1.500000000e+00, v52;
	v55 =	vld [tilespmem:$0xACD0];
	_ =	sdelay $0x1  }
0x23d: {  	v15 =	vmul.f32 v54, v16;
	_ =	sdelay $0x1  }
0x23e: {  	v13 =	vmul.f32 v15, v13  }
0x23f: {  	v14 =	vmul.f32 v55, v14  }
0x240: {  	v13 =	vmul.f32 v13, v15  }
0x241: {  	[tilespmem:s1+$0xAB10] =	vst v14  }
0x242: {  	v13 =	vsub.f32 $1.500000000e+00, v13;
	v14 =	vld [tilespmem:$0xACE0];
	_ =	sdelay $0x1  }
0x243: {  	v13 =	vmul.f32 v13, v15;
	_ =	sdelay $0x1  }
0x244: {  	v15 =	vmul.f32 v63, v13  }
0x245: {  	v12 =	vmul.f32 v14, v12  }
0x246: {  	v56 =	vmul.f32 v28, v13;
	[tilespmem:s1+$0x9B30] =	vst v15  }
0x247: {  	v57 =	vmul.f32 v31, v13;
	[tilespmem:s1+$0xAB20] =	vst v12  }
0x248: {  	v58 =	vmul.f32 v34, v13;
	[tilespmem:s1+$0x9D30] =	vst v56;
	v59 =	vld [tilespmem:$0xACF0]  }
0x249: {  	s31 =	sadd.s32 $0x1, s31;
	v60 =	vmul.f32 v37, v13;
	[tilespmem:s1+$0x9F30] =	vst v57  }
0x24a: {  	p0 =	sne.s32 s31, $0x8;
	v61 =	vmul.f32 v40, v13;
	[tilespmem:s1+$0xA130] =	vst v58  }
.Ltmp6:
0x24b: {  	v62 =	vmul.f32 v43, v13;
	[tilespmem:s1+$0xA330] =	vst v60;
	(pc) =	sbr.rel @p0 .LBB2_4-.Ltmp6, $4  }
0x24c: {  	v63 =	vmul.f32 v53, v13;
	[tilespmem:s1+$0xA530] =	vst v61  }
0x24d: {  	[tilespmem:s1+$0xA730] =	vst v62;
	v13 =	vmul.f32 v59, v13  }
0x24e: {  	[tilespmem:s1+$0xA930] =	vst v63  }
0x24f: {  	s0 =	sadd.s32 $0x1000, s0;
	[tilespmem:s1+$0xAB30] =	vst v13  }
0x250: {  	s0 =	simm.s32 $0x9B00  }
0x251: {  	[hbm4b:s6+s2] =	stream.linear.scatter [tilespmem:s0], [sflag:$0x1], $0x200, $0x38;
	[tilespmem:$0xAD00] =	vst v63  }
0x252: {  	_ =	swait.ge [sflag:s16], $0x200  }
0x253: {  	[sflag:s16] =	ssyncset.done $0x0  }
0x254: {  	s22 =	simm.s32 $0x9D00;
	[sflag:s16] =	ssyncadd.s32 $0xFFFFFE00  }
0x255: {  	[hbm4b:s7+s2] =	stream.linear.scatter [tilespmem:s22], [sflag:$0x1], $0x200, $0x38;
	[tilespmem:$0xAD00] =	vst v63  }
0x256: {  	_ =	swait.ge [sflag:s16], $0x200  }
0x257: {  	[sflag:s16] =	ssyncset.done $0x0  }
0x258: {  	s23 =	simm.s32 $0x9F00;
	[sflag:s16] =	ssyncadd.s32 $0xFFFFFE00  }
0x259: {  	[hbm4b:s8+s2] =	stream.linear.scatter [tilespmem:s23], [sflag:$0x1], $0x200, $0x38;
	[tilespmem:$0xAD00] =	vst v63  }
0x25a: {  	_ =	swait.ge [sflag:s16], $0x200  }
0x25b: {  	[sflag:s16] =	ssyncset.done $0x0  }
0x25c: {  	s24 =	simm.s32 $0xA100;
	[sflag:s16] =	ssyncadd.s32 $0xFFFFFE00  }
0x25d: {  	[hbm4b:s9+s2] =	stream.linear.scatter [tilespmem:s24], [sflag:$0x1], $0x200, $0x38;
	[tilespmem:$0xAD00] =	vst v63  }
0x25e: {  	_ =	swait.ge [sflag:s16], $0x200  }
0x25f: {  	[sflag:s16] =	ssyncset.done $0x0  }
0x260: {  	s31 =	simm.s32 $0xA300;
	[sflag:s16] =	ssyncadd.s32 $0xFFFFFE00  }
0x261: {  	[hbm4b:s10+s2] =	stream.linear.scatter [tilespmem:s31], [sflag:$0x1], $0x200, $0x38;
	[tilespmem:$0xAD00] =	vst v63  }
0x262: {  	_ =	swait.ge [sflag:s16], $0x200  }
0x263: {  	[sflag:s16] =	ssyncset.done $0x0  }
0x264: {  	[sflag:s16] =	ssyncadd.s32 $0xFFFFFE00  }
0x265: {  	[hbm4b:s11+s2] =	stream.linear.scatter [tilespmem:s25], [sflag:$0x1], $0x200, $0x38;
	[tilespmem:$0xAD00] =	vst v63  }
0x266: {  	_ =	swait.ge [sflag:s16], $0x200  }
0x267: {  	[sflag:s16] =	ssyncset.done $0x0  }
0x268: {  	[sflag:s16] =	ssyncadd.s32 $0xFFFFFE00  }
0x269: {  	[hbm4b:s12+s2] =	stream.linear.scatter [tilespmem:s26], [sflag:$0x1], $0x200, $0x38;
	[tilespmem:$0xAD00] =	vst v63  }
0x26a: {  	_ =	swait.ge [sflag:s16], $0x200  }
0x26b: {  	[sflag:s16] =	ssyncset.done $0x0  }
0x26c: {  	[sflag:s16] =	ssyncadd.s32 $0xFFFFFE00  }
0x26d: {  	[hbm4b:s13+s2] =	stream.linear.scatter [tilespmem:s28], [sflag:$0x1], $0x200, $0x38;
	[tilespmem:$0xAD00] =	vst v63  }
0x26e: {  	s30 =	sadd.s32 $0x1, s30;
	_ =	swait.ge [sflag:s16], $0x200  }
0x26f: {  	p0 =	sne.s32 s30, s15;
	[sflag:s16] =	ssyncset.done $0x0  }
.Ltmp7:
0x270: {  	[sflag:s16] =	ssyncadd.s32 $0xFFFFFE00;
	(pc) =	sbr.rel @p0 .LBB2_1-.Ltmp7, $4  }
0x271: {  	[hbm4b:s14+s2] =	stream.linear.scatter [tilespmem:s29], [sflag:$0x1], $0x200, $0x38;
	[tilespmem:$0xAD00] =	vst v63  }
0x272: {  	_ =	swait.ge [sflag:s16], $0x200  }
0x273: {  	[sflag:s16] =	ssyncset.done $0x0  }
0x274: {  	[sflag:s16] =	ssyncadd.s32 $0xFFFFFE00  }
0x275: {  	_ =	sfence.sel $0x180000  }
0x276: {  	[bflag:$0x0] =	sbarrier.arrive $0xFFFF  }
0x277: {  	_ =	strace $0x90000047  }
0x278: {  	s0 =	stileid.u32;
	[bflag:$0x2] =	sbarrier.arrive $0xFFFF  }
0x279: {  	p0 =	sne.s32 s0, $0x0;
	s0 =	rddreg [dreg:$0x2]  }
0x27a: {  	s0 =	sadd.s32 @!p0 $0x100000, s0  }
0x27b: {  	[sflag:s0] =	ssyncadd.tile.s32 @!p0 $0x1;
	_ =	shalt  }
.Lfunc_end2:
_tile_overlayer_lowered:
.L_overlay_start_2:
0x27c: {  	(tag) =	ssettag $0x2  }
0x27d: {  	s0 =	rddreg [dreg:$0x0];
	s2 =	stileid.u32  }
0x27e: {  	s1 =	rddreg [dreg:$0x1];
	p0 =	sne.s32 s2, $0x0  }
0x27f: {  	s3 =	rddreg [dreg:$0x2];
	[bflag:$0x3] =	sbarrier.arrive $0xFFFF;
	s2 =	simm.s32 @!p0 $0x1C01  }
0x280: {  	[timem:s3], [sflag:s2] =	dma.local @!p0 [hbm:s0], s1  }
0x281: {  	s0 =	simm.s32 @!p0 $0x1  }
0x282: {  	_ =	swait.ge @!p0 [sflag:s0], s1  }
0x283: {  	s1 =	ssub.s32 @!p0 $0x0, s1;
	[sflag:s0] =	ssyncset.done @!p0 $0x0  }
0x284: {  	[sflag:s0] =	ssyncadd.s32 @!p0 s1  }
0x285: {  	[bflag:$0x3] =	sbarrier.arrive $0xFFFF  }
0x286: {  	_ =	shalt  }

</sc_bundles>
